<compile_context>
chip_gen: v7x
topology: tpu7x:2x2x1
jax: 0.10.2.dev20260603
libtpu: 0.0.44.dev20260713+nightly
codegen_flags: <defaults>
</compile_context>

<pallas_src>
import functools

import jax
import jax.numpy as jnp
from jax import lax
from jax.experimental import pallas as pl
from jax.experimental.pallas import tpu as pltpu
from jax.experimental.pallas import tpu_sc as plsc

FG_THRESH = 0.9
BG_THRESH = 0.1

_ROWS = 32768
_COLS = 512
_NC, _NS, _L = 2, 16, 16
_NW = _NC * _NS
_ROWS_PER_W = _ROWS // _NW
_CH_ROWS = 8
_NCHUNK = _ROWS_PER_W // _CH_ROWS
_NSLOT = 8

_mesh = plsc.VectorSubcoreMesh(core_axis_name="c", subcore_axis_name="s")

_vmem = [pltpu.VMEM((_CH_ROWS, _COLS), jnp.float32) for _ in range(2 * _NSLOT)]
_sems = [pltpu.SemaphoreType.DMA for _ in range(2 * _NSLOT)]


@functools.partial(
    pl.kernel,
    out_type=jax.ShapeDtypeStruct((_ROWS, _COLS), jnp.float32),
    mesh=_mesh,
    scratch_types=_vmem + _sems,
)
def _sc_fuse(t_hbm, a_hbm, out_hbm, *scratch):
    tbufs = scratch[0:_NSLOT]
    abufs = scratch[_NSLOT:2 * _NSLOT]
    lsems = scratch[2 * _NSLOT:3 * _NSLOT]
    ssems = scratch[3 * _NSLOT:4 * _NSLOT]
    wid = lax.axis_index("s") * _NC + lax.axis_index("c")
    base = wid * _ROWS_PER_W

    def start_loads(g, s):
        off = base + g * _CH_ROWS
        pltpu.async_copy(t_hbm.at[pl.ds(off, _CH_ROWS), :], tbufs[s], lsems[s])
        pltpu.async_copy(a_hbm.at[pl.ds(off, _CH_ROWS), :], abufs[s], lsems[s])

    def wait_loads(s):
        pltpu.make_async_copy(t_hbm.at[pl.ds(base, _CH_ROWS), :], tbufs[s], lsems[s]).wait()
        pltpu.make_async_copy(a_hbm.at[pl.ds(base, _CH_ROWS), :], abufs[s], lsems[s]).wait()

    def wait_store(s):
        pltpu.make_async_copy(abufs[s], out_hbm.at[pl.ds(base, _CH_ROWS), :], ssems[s]).wait()

    start_loads(0, 0)
    start_loads(1, 1)
    start_loads(2, 2)
    start_loads(3, 3)

    def quad_body(p, carry):
        for b in range(_NSLOT):
            g = _NSLOT * p + b
            s = b
            nxt = (b + 4) % _NSLOT

            @pl.when((g >= 4) & (g + 4 < _NCHUNK))
            def _w():
                wait_store(nxt)

            @pl.when(g + 4 < _NCHUNK)
            def _s():
                start_loads(g + 4, nxt)

            wait_loads(s)

            def row_body(r, carry2):
                @plsc.parallel_loop(0, _COLS, _L, unroll=8)
                def vec_body(c):
                    t = tbufs[s][r, pl.ds(c, _L)]
                    a = abufs[s][r, pl.ds(c, _L)]
                    keep = (t > FG_THRESH) | (t < BG_THRESH)
                    abufs[s][r, pl.ds(c, _L)] = jnp.where(keep, t, a)

                return carry2

            lax.fori_loop(0, _CH_ROWS, row_body, 0)

            out_off = base + g * _CH_ROWS
            pltpu.async_copy(abufs[s], out_hbm.at[pl.ds(out_off, _CH_ROWS), :], ssems[s])
        return carry

    lax.fori_loop(0, _NCHUNK // _NSLOT, quad_body, 0)
    for s in range(_NSLOT):
        wait_store(s)


def kernel(trimap, alpha):
    t = trimap.reshape(_ROWS, _COLS)
    a = alpha.reshape(_ROWS, _COLS)
    out = _sc_fuse(t, a)
    return out.reshape(trimap.shape)

# --- scband reference (transcript-rebuilt; emitter-appended) ---
"""Pipeline reference for scband-tmfusion-54090818125941 (READ-ONLY COPY).

The authoritative reference and input builder live on the scoring server;
editing this copy changes nothing except your own understanding.
"""

import jax, jax.numpy as jnp
import numpy as np

FG_THRESH = 0.9
BG_THRESH = 0.1

def setup_inputs(seed: int = 0) -> dict:
    key = jax.random.key(seed)
    k1, k2 = jax.random.split(key)
    trimap = jax.random.uniform(k1, (64, 1, 512, 512), dtype=jnp.float32)
    alpha = jax.random.uniform(k2, (64, 1, 512, 512), dtype=jnp.float32)
    return {"trimap": trimap, "alpha": alpha}

def reference(trimap, alpha):
    # Faithful translation of the trimap_channel == 4 branch:
    #   alpha.masked_scatter_(trimap > fg_thresh, trimap[trimap > fg_thresh])
    #   alpha.masked_scatter_(trimap < bg_thresh, trimap[trimap < bg_thresh])
    # Since mask and source are both derived from trimap (same shape as alpha),
    # masked_scatter_ here is an elementwise masked overwrite:
    out = jnp.where(trimap > FG_THRESH, trimap, alpha)
    out = jnp.where(trimap < BG_THRESH, trimap, out)
    return out

if __name__ == "__main__":
    import jax
    _d = setup_inputs()
    print(jax.jit(kernel)(*tuple(_d.values())))

</pallas_src>

<mosaic_0001>
#map = affine_map<(d0, d1) -> (0, 0)>
module attributes {stable_mosaic.version = 14 : i64} {
  func.func @_sc_fuse(%arg0: i32, %arg1: i32, %arg2: memref<32768x512xf32, #tpu.memory_space<hbm>>, %arg3: memref<32768x512xf32, #tpu.memory_space<hbm>>, %arg4: memref<32768x512xf32, #tpu.memory_space<hbm>>, %arg5: memref<8x512xf32, #tpu.memory_space<vmem>>, %arg6: memref<8x512xf32, #tpu.memory_space<vmem>>, %arg7: memref<8x512xf32, #tpu.memory_space<vmem>>, %arg8: memref<8x512xf32, #tpu.memory_space<vmem>>, %arg9: memref<8x512xf32, #tpu.memory_space<vmem>>, %arg10: memref<8x512xf32, #tpu.memory_space<vmem>>, %arg11: memref<8x512xf32, #tpu.memory_space<vmem>>, %arg12: memref<8x512xf32, #tpu.memory_space<vmem>>, %arg13: memref<8x512xf32, #tpu.memory_space<vmem>>, %arg14: memref<8x512xf32, #tpu.memory_space<vmem>>, %arg15: memref<8x512xf32, #tpu.memory_space<vmem>>, %arg16: memref<8x512xf32, #tpu.memory_space<vmem>>, %arg17: memref<8x512xf32, #tpu.memory_space<vmem>>, %arg18: memref<8x512xf32, #tpu.memory_space<vmem>>, %arg19: memref<8x512xf32, #tpu.memory_space<vmem>>, %arg20: memref<8x512xf32, #tpu.memory_space<vmem>>, %arg21: memref<!tpu.dma_semaphore, #tpu.memory_space<semaphore_mem>>, %arg22: memref<!tpu.dma_semaphore, #tpu.memory_space<semaphore_mem>>, %arg23: memref<!tpu.dma_semaphore, #tpu.memory_space<semaphore_mem>>, %arg24: memref<!tpu.dma_semaphore, #tpu.memory_space<semaphore_mem>>, %arg25: memref<!tpu.dma_semaphore, #tpu.memory_space<semaphore_mem>>, %arg26: memref<!tpu.dma_semaphore, #tpu.memory_space<semaphore_mem>>, %arg27: memref<!tpu.dma_semaphore, #tpu.memory_space<semaphore_mem>>, %arg28: memref<!tpu.dma_semaphore, #tpu.memory_space<semaphore_mem>>, %arg29: memref<!tpu.dma_semaphore, #tpu.memory_space<semaphore_mem>>, %arg30: memref<!tpu.dma_semaphore, #tpu.memory_space<semaphore_mem>>, %arg31: memref<!tpu.dma_semaphore, #tpu.memory_space<semaphore_mem>>, %arg32: memref<!tpu.dma_semaphore, #tpu.memory_space<semaphore_mem>>, %arg33: memref<!tpu.dma_semaphore, #tpu.memory_space<semaphore_mem>>, %arg34: memref<!tpu.dma_semaphore, #tpu.memory_space<semaphore_mem>>, %arg35: memref<!tpu.dma_semaphore, #tpu.memory_space<semaphore_mem>>, %arg36: memref<!tpu.dma_semaphore, #tpu.memory_space<semaphore_mem>>) attributes {dimension_semantics = [#tpu.dimension_semantics<core_parallel>, #tpu.dimension_semantics<subcore_parallel>], iteration_bounds = array<i64: 2, 16>, scalar_prefetch = 0 : i64, scratch_operands = 32 : i64, tpu.core_type = #tpu.core_type<sc_vector_subcore>, window_params = [{transform_indices = #map}, {transform_indices = #map}, {transform_indices = #map}]} {
    %mul3A = arith.constant 2 : i32
    %mul3A_0 = arith.muli %arg1, %mul3A : i32
    %add3A = arith.addi %mul3A_0, %arg0 : i32
    %mul3A_1 = arith.constant 1024 : i32
    %mul3A_2 = arith.muli %add3A, %mul3A_1 : i32
    %add3A_3 = arith.constant 0 : i32
    %add3A_4 = arith.addi %mul3A_2, %add3A_3 : i32
    %dma_start3A = arith.constant 0 : i32
    %dma_start3A_5 = tpu.memref_slice %arg2[%add3A_4, %dma_start3A] : memref<32768x512xf32, #tpu.memory_space<hbm>> -> memref<8x512xf32, #tpu.memory_space<hbm>>
    %dma_start3A_6 = arith.constant 0 : i32
    %dma_start3A_7 = tpu.memref_slice %arg2[%add3A_4, %dma_start3A_6] : memref<32768x512xf32, #tpu.memory_space<hbm>> -> memref<8x512xf32, #tpu.memory_space<hbm>>
    tpu.enqueue_dma source(%dma_start3A_7 : memref<8x512xf32, #tpu.memory_space<hbm>>) target(%arg5 : memref<8x512xf32, #tpu.memory_space<vmem>>) target_semaphore(%arg21 : memref<!tpu.dma_semaphore, #tpu.memory_space<semaphore_mem>>)
    %dma_start3A_8 = arith.constant 0 : i32
    %dma_start3A_9 = tpu.memref_slice %arg3[%add3A_4, %dma_start3A_8] : memref<32768x512xf32, #tpu.memory_space<hbm>> -> memref<8x512xf32, #tpu.memory_space<hbm>>
    %dma_start3A_10 = arith.constant 0 : i32
    %dma_start3A_11 = tpu.memref_slice %arg3[%add3A_4, %dma_start3A_10] : memref<32768x512xf32, #tpu.memory_space<hbm>> -> memref<8x512xf32, #tpu.memory_space<hbm>>
    tpu.enqueue_dma source(%dma_start3A_11 : memref<8x512xf32, #tpu.memory_space<hbm>>) target(%arg13 : memref<8x512xf32, #tpu.memory_space<vmem>>) target_semaphore(%arg21 : memref<!tpu.dma_semaphore, #tpu.memory_space<semaphore_mem>>)
    %add3A_12 = arith.constant 8 : i32
    %add3A_13 = arith.addi %mul3A_2, %add3A_12 : i32
    %dma_start3A_14 = arith.constant 0 : i32
    %dma_start3A_15 = tpu.memref_slice %arg2[%add3A_13, %dma_start3A_14] : memref<32768x512xf32, #tpu.memory_space<hbm>> -> memref<8x512xf32, #tpu.memory_space<hbm>>
    %dma_start3A_16 = arith.constant 0 : i32
    %dma_start3A_17 = tpu.memref_slice %arg2[%add3A_13, %dma_start3A_16] : memref<32768x512xf32, #tpu.memory_space<hbm>> -> memref<8x512xf32, #tpu.memory_space<hbm>>
    tpu.enqueue_dma source(%dma_start3A_17 : memref<8x512xf32, #tpu.memory_space<hbm>>) target(%arg6 : memref<8x512xf32, #tpu.memory_space<vmem>>) target_semaphore(%arg22 : memref<!tpu.dma_semaphore, #tpu.memory_space<semaphore_mem>>)
    %dma_start3A_18 = arith.constant 0 : i32
    %dma_start3A_19 = tpu.memref_slice %arg3[%add3A_13, %dma_start3A_18] : memref<32768x512xf32, #tpu.memory_space<hbm>> -> memref<8x512xf32, #tpu.memory_space<hbm>>
    %dma_start3A_20 = arith.constant 0 : i32
    %dma_start3A_21 = tpu.memref_slice %arg3[%add3A_13, %dma_start3A_20] : memref<32768x512xf32, #tpu.memory_space<hbm>> -> memref<8x512xf32, #tpu.memory_space<hbm>>
    tpu.enqueue_dma source(%dma_start3A_21 : memref<8x512xf32, #tpu.memory_space<hbm>>) target(%arg14 : memref<8x512xf32, #tpu.memory_space<vmem>>) target_semaphore(%arg22 : memref<!tpu.dma_semaphore, #tpu.memory_space<semaphore_mem>>)
    %add3A_22 = arith.constant 16 : i32
    %add3A_23 = arith.addi %mul3A_2, %add3A_22 : i32
    %dma_start3A_24 = arith.constant 0 : i32
    %dma_start3A_25 = tpu.memref_slice %arg2[%add3A_23, %dma_start3A_24] : memref<32768x512xf32, #tpu.memory_space<hbm>> -> memref<8x512xf32, #tpu.memory_space<hbm>>
    %dma_start3A_26 = arith.constant 0 : i32
    %dma_start3A_27 = tpu.memref_slice %arg2[%add3A_23, %dma_start3A_26] : memref<32768x512xf32, #tpu.memory_space<hbm>> -> memref<8x512xf32, #tpu.memory_space<hbm>>
    tpu.enqueue_dma source(%dma_start3A_27 : memref<8x512xf32, #tpu.memory_space<hbm>>) target(%arg7 : memref<8x512xf32, #tpu.memory_space<vmem>>) target_semaphore(%arg23 : memref<!tpu.dma_semaphore, #tpu.memory_space<semaphore_mem>>)
    %dma_start3A_28 = arith.constant 0 : i32
    %dma_start3A_29 = tpu.memref_slice %arg3[%add3A_23, %dma_start3A_28] : memref<32768x512xf32, #tpu.memory_space<hbm>> -> memref<8x512xf32, #tpu.memory_space<hbm>>
    %dma_start3A_30 = arith.constant 0 : i32
    %dma_start3A_31 = tpu.memref_slice %arg3[%add3A_23, %dma_start3A_30] : memref<32768x512xf32, #tpu.memory_space<hbm>> -> memref<8x512xf32, #tpu.memory_space<hbm>>
    tpu.enqueue_dma source(%dma_start3A_31 : memref<8x512xf32, #tpu.memory_space<hbm>>) target(%arg15 : memref<8x512xf32, #tpu.memory_space<vmem>>) target_semaphore(%arg23 : memref<!tpu.dma_semaphore, #tpu.memory_space<semaphore_mem>>)
    %add3A_32 = arith.constant 24 : i32
    %add3A_33 = arith.addi %mul3A_2, %add3A_32 : i32
    %dma_start3A_34 = arith.constant 0 : i32
    %dma_start3A_35 = tpu.memref_slice %arg2[%add3A_33, %dma_start3A_34] : memref<32768x512xf32, #tpu.memory_space<hbm>> -> memref<8x512xf32, #tpu.memory_space<hbm>>
    %dma_start3A_36 = arith.constant 0 : i32
    %dma_start3A_37 = tpu.memref_slice %arg2[%add3A_33, %dma_start3A_36] : memref<32768x512xf32, #tpu.memory_space<hbm>> -> memref<8x512xf32, #tpu.memory_space<hbm>>
    tpu.enqueue_dma source(%dma_start3A_37 : memref<8x512xf32, #tpu.memory_space<hbm>>) target(%arg8 : memref<8x512xf32, #tpu.memory_space<vmem>>) target_semaphore(%arg24 : memref<!tpu.dma_semaphore, #tpu.memory_space<semaphore_mem>>)
    %dma_start3A_38 = arith.constant 0 : i32
    %dma_start3A_39 = tpu.memref_slice %arg3[%add3A_33, %dma_start3A_38] : memref<32768x512xf32, #tpu.memory_space<hbm>> -> memref<8x512xf32, #tpu.memory_space<hbm>>
    %dma_start3A_40 = arith.constant 0 : i32
    %dma_start3A_41 = tpu.memref_slice %arg3[%add3A_33, %dma_start3A_40] : memref<32768x512xf32, #tpu.memory_space<hbm>> -> memref<8x512xf32, #tpu.memory_space<hbm>>
    tpu.enqueue_dma source(%dma_start3A_41 : memref<8x512xf32, #tpu.memory_space<hbm>>) target(%arg16 : memref<8x512xf32, #tpu.memory_space<vmem>>) target_semaphore(%arg24 : memref<!tpu.dma_semaphore, #tpu.memory_space<semaphore_mem>>)
    %scan3A = arith.constant 0 : i32
    %scan3A_42 = arith.constant 0 : i32
    %scan3A_43 = arith.constant 16 : i32
    %scan3A_44 = arith.addi %scan3A_42, %scan3A_43 : i32
    %scan3A_45 = arith.constant 1 : i32
    scf.for %scan3A_78 = %scan3A_42 to %scan3A_44 step %scan3A_45  : i32 {
      %mul3A_79 = arith.constant 8 : i32
      %mul3A_80 = arith.muli %mul3A_79, %scan3A_78 : i32
      %add3A_81 = arith.constant 0 : i32
      %add3A_82 = arith.addi %mul3A_80, %add3A_81 : i32
      %ge3A = arith.constant 4 : i32
      %ge3A_83 = arith.cmpi sge, %add3A_82, %ge3A : i32
      %add3A_84 = arith.constant 4 : i32
      %add3A_85 = arith.addi %add3A_82, %add3A_84 : i32
      %lt3A = arith.constant 128 : i32
      %lt3A_86 = arith.cmpi slt, %add3A_85, %lt3A : i32
      %and3A = arith.andi %ge3A_83, %lt3A_86 : i1
      %convert_element_type3A = arith.extui %and3A : i1 to i32
      %cond3A = arith.constant 0 : i32
      %cond3A_87 = arith.cmpi ne, %convert_element_type3A, %cond3A : i32
      scf.if %cond3A_87 {
        %dma_wait3A_410 = arith.constant 0 : i32
        %dma_wait3A_411 = tpu.memref_slice %arg4[%mul3A_2, %dma_wait3A_410] : memref<32768x512xf32, #tpu.memory_space<hbm>> -> memref<8x512xf32, #tpu.memory_space<hbm>>
        %dma_wait3A_412 = arith.constant 0 : i32
        %dma_wait3A_413 = tpu.memref_slice %arg4[%mul3A_2, %dma_wait3A_412] : memref<32768x512xf32, #tpu.memory_space<hbm>> -> memref<8x512xf32, #tpu.memory_space<hbm>>
        tpu.wait_dma2 semaphore(%arg33 : memref<!tpu.dma_semaphore, #tpu.memory_space<semaphore_mem>>) src(%arg17 : memref<8x512xf32, #tpu.memory_space<vmem>>) dst(%dma_wait3A_413 : memref<8x512xf32, #tpu.memory_space<hbm>>)
      } else {
      }
      %add3A_88 = arith.constant 4 : i32
      %add3A_89 = arith.addi %add3A_82, %add3A_88 : i32
      %lt3A_90 = arith.constant 128 : i32
      %lt3A_91 = arith.cmpi slt, %add3A_89, %lt3A_90 : i32
      %convert_element_type3A_92 = arith.extui %lt3A_91 : i1 to i32
      %cond3A_93 = arith.constant 0 : i32
      %cond3A_94 = arith.cmpi ne, %convert_element_type3A_92, %cond3A_93 : i32
      scf.if %cond3A_94 {
        %add3A_410 = arith.constant 4 : i32
        %add3A_411 = arith.addi %add3A_82, %add3A_410 : i32
        %mul3A_412 = arith.constant 8 : i32
        %mul3A_413 = arith.muli %add3A_411, %mul3A_412 : i32
        %add3A_414 = arith.addi %mul3A_2, %mul3A_413 : i32
        %dma_start3A_415 = arith.constant 0 : i32
        %dma_start3A_416 = tpu.memref_slice %arg2[%add3A_414, %dma_start3A_415] : memref<32768x512xf32, #tpu.memory_space<hbm>> -> memref<8x512xf32, #tpu.memory_space<hbm>>
        %dma_start3A_417 = arith.constant 0 : i32
        %dma_start3A_418 = tpu.memref_slice %arg2[%add3A_414, %dma_start3A_417] : memref<32768x512xf32, #tpu.memory_space<hbm>> -> memref<8x512xf32, #tpu.memory_space<hbm>>
        tpu.enqueue_dma source(%dma_start3A_418 : memref<8x512xf32, #tpu.memory_space<hbm>>) target(%arg9 : memref<8x512xf32, #tpu.memory_space<vmem>>) target_semaphore(%arg25 : memref<!tpu.dma_semaphore, #tpu.memory_space<semaphore_mem>>)
        %dma_start3A_419 = arith.constant 0 : i32
        %dma_start3A_420 = tpu.memref_slice %arg3[%add3A_414, %dma_start3A_419] : memref<32768x512xf32, #tpu.memory_space<hbm>> -> memref<8x512xf32, #tpu.memory_space<hbm>>
        %dma_start3A_421 = arith.constant 0 : i32
        %dma_start3A_422 = tpu.memref_slice %arg3[%add3A_414, %dma_start3A_421] : memref<32768x512xf32, #tpu.memory_space<hbm>> -> memref<8x512xf32, #tpu.memory_space<hbm>>
        tpu.enqueue_dma source(%dma_start3A_422 : memref<8x512xf32, #tpu.memory_space<hbm>>) target(%arg17 : memref<8x512xf32, #tpu.memory_space<vmem>>) target_semaphore(%arg25 : memref<!tpu.dma_semaphore, #tpu.memory_space<semaphore_mem>>)
      } else {
      }
      %dma_wait3A_95 = arith.constant 0 : i32
      %dma_wait3A_96 = tpu.memref_slice %arg2[%mul3A_2, %dma_wait3A_95] : memref<32768x512xf32, #tpu.memory_space<hbm>> -> memref<8x512xf32, #tpu.memory_space<hbm>>
      %dma_wait3A_97 = arith.constant 0 : i32
      %dma_wait3A_98 = tpu.memref_slice %arg2[%mul3A_2, %dma_wait3A_97] : memref<32768x512xf32, #tpu.memory_space<hbm>> -> memref<8x512xf32, #tpu.memory_space<hbm>>
      tpu.wait_dma2 semaphore(%arg21 : memref<!tpu.dma_semaphore, #tpu.memory_space<semaphore_mem>>) src(%dma_wait3A_98 : memref<8x512xf32, #tpu.memory_space<hbm>>) dst(%arg5 : memref<8x512xf32, #tpu.memory_space<vmem>>)
      %dma_wait3A_99 = arith.constant 0 : i32
      %dma_wait3A_100 = tpu.memref_slice %arg3[%mul3A_2, %dma_wait3A_99] : memref<32768x512xf32, #tpu.memory_space<hbm>> -> memref<8x512xf32, #tpu.memory_space<hbm>>
      %dma_wait3A_101 = arith.constant 0 : i32
      %dma_wait3A_102 = tpu.memref_slice %arg3[%mul3A_2, %dma_wait3A_101] : memref<32768x512xf32, #tpu.memory_space<hbm>> -> memref<8x512xf32, #tpu.memory_space<hbm>>
      tpu.wait_dma2 semaphore(%arg21 : memref<!tpu.dma_semaphore, #tpu.memory_space<semaphore_mem>>) src(%dma_wait3A_102 : memref<8x512xf32, #tpu.memory_space<hbm>>) dst(%arg13 : memref<8x512xf32, #tpu.memory_space<vmem>>)
      %scan3A_103 = arith.constant 0 : i32
      %scan3A_104 = arith.constant 0 : i32
      %scan3A_105 = arith.constant 8 : i32
      %scan3A_106 = arith.addi %scan3A_104, %scan3A_105 : i32
      %scan3A_107 = arith.constant 1 : i32
      scf.for %scan3A_410 = %scan3A_104 to %scan3A_106 step %scan3A_107  : i32 {
        %parallel_loop3A = arith.constant 0 : i32
        %parallel_loop3A_411 = arith.constant 512 : i32
        %parallel_loop3A_412 = arith.constant 16 : i32
        scf.for %parallel_loop3A_413 = %parallel_loop3A to %parallel_loop3A_411 step %parallel_loop3A_412  : i32 {
          %parallel_loop3A_414 = arith.index_cast %scan3A_410 : i32 to index
          %parallel_loop3A_415 = arith.index_cast %parallel_loop3A_413 : i32 to index
          %parallel_loop3A_416 = tpu.vector_load %arg5[%parallel_loop3A_414, %parallel_loop3A_415] {strides = array<i32>} : memref<8x512xf32, #tpu.memory_space<vmem>>, vector<1x16xf32>,
          %parallel_loop3A_417 = vector.shape_cast %parallel_loop3A_416 : vector<1x16xf32> to vector<16xf32>
          %parallel_loop3A_418 = arith.index_cast %scan3A_410 : i32 to index
          %parallel_loop3A_419 = arith.index_cast %parallel_loop3A_413 : i32 to index
          %parallel_loop3A_420 = tpu.vector_load %arg13[%parallel_loop3A_418, %parallel_loop3A_419] {strides = array<i32>} : memref<8x512xf32, #tpu.memory_space<vmem>>, vector<1x16xf32>,
          %parallel_loop3A_421 = vector.shape_cast %parallel_loop3A_420 : vector<1x16xf32> to vector<16xf32>
          %parallel_loop3A_422 = arith.constant 0.899999976 : f32
          %parallel_loop3A_423 = vector.broadcast %parallel_loop3A_422 : f32 to vector<16xf32>
          %parallel_loop3A_424 = arith.cmpf ogt, %parallel_loop3A_417, %parallel_loop3A_423 : vector<16xf32>
          %parallel_loop3A_425 = arith.constant 1.000000e-01 : f32
          %parallel_loop3A_426 = vector.broadcast %parallel_loop3A_425 : f32 to vector<16xf32>
          %parallel_loop3A_427 = arith.cmpf olt, %parallel_loop3A_417, %parallel_loop3A_426 : vector<16xf32>
          %parallel_loop3A_428 = arith.ori %parallel_loop3A_424, %parallel_loop3A_427 : vector<16xi1>
          %parallel_loop3A_429 = arith.select %parallel_loop3A_428, %parallel_loop3A_417, %parallel_loop3A_421 : vector<16xi1>, vector<16xf32>
          %parallel_loop3A_430 = arith.index_cast %scan3A_410 : i32 to index
          %parallel_loop3A_431 = arith.index_cast %parallel_loop3A_413 : i32 to index
          %parallel_loop3A_432 = tpu.vector_load %arg13[%parallel_loop3A_430, %parallel_loop3A_431] {strides = array<i32>} : memref<8x512xf32, #tpu.memory_space<vmem>>, vector<1x16xf32>,
          %parallel_loop3A_433 = vector.shape_cast %parallel_loop3A_432 : vector<1x16xf32> to vector<16xf32>
          %parallel_loop3A_434 = vector.shape_cast %parallel_loop3A_429 : vector<16xf32> to vector<1x16xf32>
          tpu.vector_store %arg13[%parallel_loop3A_430, %parallel_loop3A_431], %parallel_loop3A_434 {strides = array<i32>} : memref<8x512xf32, #tpu.memory_space<vmem>>, vector<1x16xf32>,
        } {sc.loop_unroll_factor = 8 : i64, sc.parallel_access}
      }
      %scan3A_108 = arith.constant 8 : i32
      %mul3A_109 = arith.constant 8 : i32
      %mul3A_110 = arith.muli %add3A_82, %mul3A_109 : i32
      %add3A_111 = arith.addi %mul3A_2, %mul3A_110 : i32
      %dma_start3A_112 = arith.constant 0 : i32
      %dma_start3A_113 = tpu.memref_slice %arg4[%add3A_111, %dma_start3A_112] : memref<32768x512xf32, #tpu.memory_space<hbm>> -> memref<8x512xf32, #tpu.memory_space<hbm>>
      %dma_start3A_114 = arith.constant 0 : i32
      %dma_start3A_115 = tpu.memref_slice %arg4[%add3A_111, %dma_start3A_114] : memref<32768x512xf32, #tpu.memory_space<hbm>> -> memref<8x512xf32, #tpu.memory_space<hbm>>
      tpu.enqueue_dma source(%arg13 : memref<8x512xf32, #tpu.memory_space<vmem>>) target(%dma_start3A_115 : memref<8x512xf32, #tpu.memory_space<hbm>>) target_semaphore(%arg29 : memref<!tpu.dma_semaphore, #tpu.memory_space<semaphore_mem>>)
      %mul3A_116 = arith.constant 8 : i32
      %mul3A_117 = arith.muli %mul3A_116, %scan3A_78 : i32
      %add3A_118 = arith.constant 1 : i32
      %add3A_119 = arith.addi %mul3A_117, %add3A_118 : i32
      %ge3A_120 = arith.constant 4 : i32
      %ge3A_121 = arith.cmpi sge, %add3A_119, %ge3A_120 : i32
      %add3A_122 = arith.constant 4 : i32
      %add3A_123 = arith.addi %add3A_119, %add3A_122 : i32
      %lt3A_124 = arith.constant 128 : i32
      %lt3A_125 = arith.cmpi slt, %add3A_123, %lt3A_124 : i32
      %and3A_126 = arith.andi %ge3A_121, %lt3A_125 : i1
      %convert_element_type3A_127 = arith.extui %and3A_126 : i1 to i32
      %cond3A_128 = arith.constant 0 : i32
      %cond3A_129 = arith.cmpi ne, %convert_element_type3A_127, %cond3A_128 : i32
      scf.if %cond3A_129 {
        %dma_wait3A_410 = arith.constant 0 : i32
        %dma_wait3A_411 = tpu.memref_slice %arg4[%mul3A_2, %dma_wait3A_410] : memref<32768x512xf32, #tpu.memory_space<hbm>> -> memref<8x512xf32, #tpu.memory_space<hbm>>
        %dma_wait3A_412 = arith.constant 0 : i32
        %dma_wait3A_413 = tpu.memref_slice %arg4[%mul3A_2, %dma_wait3A_412] : memref<32768x512xf32, #tpu.memory_space<hbm>> -> memref<8x512xf32, #tpu.memory_space<hbm>>
        tpu.wait_dma2 semaphore(%arg34 : memref<!tpu.dma_semaphore, #tpu.memory_space<semaphore_mem>>) src(%arg18 : memref<8x512xf32, #tpu.memory_space<vmem>>) dst(%dma_wait3A_413 : memref<8x512xf32, #tpu.memory_space<hbm>>)
      } else {
      }
      %add3A_130 = arith.constant 4 : i32
      %add3A_131 = arith.addi %add3A_119, %add3A_130 : i32
      %lt3A_132 = arith.constant 128 : i32
      %lt3A_133 = arith.cmpi slt, %add3A_131, %lt3A_132 : i32
      %convert_element_type3A_134 = arith.extui %lt3A_133 : i1 to i32
      %cond3A_135 = arith.constant 0 : i32
      %cond3A_136 = arith.cmpi ne, %convert_element_type3A_134, %cond3A_135 : i32
      scf.if %cond3A_136 {
        %add3A_410 = arith.constant 4 : i32
        %add3A_411 = arith.addi %add3A_119, %add3A_410 : i32
        %mul3A_412 = arith.constant 8 : i32
        %mul3A_413 = arith.muli %add3A_411, %mul3A_412 : i32
        %add3A_414 = arith.addi %mul3A_2, %mul3A_413 : i32
        %dma_start3A_415 = arith.constant 0 : i32
        %dma_start3A_416 = tpu.memref_slice %arg2[%add3A_414, %dma_start3A_415] : memref<32768x512xf32, #tpu.memory_space<hbm>> -> memref<8x512xf32, #tpu.memory_space<hbm>>
        %dma_start3A_417 = arith.constant 0 : i32
        %dma_start3A_418 = tpu.memref_slice %arg2[%add3A_414, %dma_start3A_417] : memref<32768x512xf32, #tpu.memory_space<hbm>> -> memref<8x512xf32, #tpu.memory_space<hbm>>
        tpu.enqueue_dma source(%dma_start3A_418 : memref<8x512xf32, #tpu.memory_space<hbm>>) target(%arg10 : memref<8x512xf32, #tpu.memory_space<vmem>>) target_semaphore(%arg26 : memref<!tpu.dma_semaphore, #tpu.memory_space<semaphore_mem>>)
        %dma_start3A_419 = arith.constant 0 : i32
        %dma_start3A_420 = tpu.memref_slice %arg3[%add3A_414, %dma_start3A_419] : memref<32768x512xf32, #tpu.memory_space<hbm>> -> memref<8x512xf32, #tpu.memory_space<hbm>>
        %dma_start3A_421 = arith.constant 0 : i32
        %dma_start3A_422 = tpu.memref_slice %arg3[%add3A_414, %dma_start3A_421] : memref<32768x512xf32, #tpu.memory_space<hbm>> -> memref<8x512xf32, #tpu.memory_space<hbm>>
        tpu.enqueue_dma source(%dma_start3A_422 : memref<8x512xf32, #tpu.memory_space<hbm>>) target(%arg18 : memref<8x512xf32, #tpu.memory_space<vmem>>) target_semaphore(%arg26 : memref<!tpu.dma_semaphore, #tpu.memory_space<semaphore_mem>>)
      } else {
      }
      %dma_wait3A_137 = arith.constant 0 : i32
      %dma_wait3A_138 = tpu.memref_slice %arg2[%mul3A_2, %dma_wait3A_137] : memref<32768x512xf32, #tpu.memory_space<hbm>> -> memref<8x512xf32, #tpu.memory_space<hbm>>
      %dma_wait3A_139 = arith.constant 0 : i32
      %dma_wait3A_140 = tpu.memref_slice %arg2[%mul3A_2, %dma_wait3A_139] : memref<32768x512xf32, #tpu.memory_space<hbm>> -> memref<8x512xf32, #tpu.memory_space<hbm>>
      tpu.wait_dma2 semaphore(%arg22 : memref<!tpu.dma_semaphore, #tpu.memory_space<semaphore_mem>>) src(%dma_wait3A_140 : memref<8x512xf32, #tpu.memory_space<hbm>>) dst(%arg6 : memref<8x512xf32, #tpu.memory_space<vmem>>)
      %dma_wait3A_141 = arith.constant 0 : i32
      %dma_wait3A_142 = tpu.memref_slice %arg3[%mul3A_2, %dma_wait3A_141] : memref<32768x512xf32, #tpu.memory_space<hbm>> -> memref<8x512xf32, #tpu.memory_space<hbm>>
      %dma_wait3A_143 = arith.constant 0 : i32
      %dma_wait3A_144 = tpu.memref_slice %arg3[%mul3A_2, %dma_wait3A_143] : memref<32768x512xf32, #tpu.memory_space<hbm>> -> memref<8x512xf32, #tpu.memory_space<hbm>>
      tpu.wait_dma2 semaphore(%arg22 : memref<!tpu.dma_semaphore, #tpu.memory_space<semaphore_mem>>) src(%dma_wait3A_144 : memref<8x512xf32, #tpu.memory_space<hbm>>) dst(%arg14 : memref<8x512xf32, #tpu.memory_space<vmem>>)
      %scan3A_145 = arith.constant 0 : i32
      %scan3A_146 = arith.constant 0 : i32
      %scan3A_147 = arith.constant 8 : i32
      %scan3A_148 = arith.addi %scan3A_146, %scan3A_147 : i32
      %scan3A_149 = arith.constant 1 : i32
      scf.for %scan3A_410 = %scan3A_146 to %scan3A_148 step %scan3A_149  : i32 {
        %parallel_loop3A = arith.constant 0 : i32
        %parallel_loop3A_411 = arith.constant 512 : i32
        %parallel_loop3A_412 = arith.constant 16 : i32
        scf.for %parallel_loop3A_413 = %parallel_loop3A to %parallel_loop3A_411 step %parallel_loop3A_412  : i32 {
          %parallel_loop3A_414 = arith.index_cast %scan3A_410 : i32 to index
          %parallel_loop3A_415 = arith.index_cast %parallel_loop3A_413 : i32 to index
          %parallel_loop3A_416 = tpu.vector_load %arg6[%parallel_loop3A_414, %parallel_loop3A_415] {strides = array<i32>} : memref<8x512xf32, #tpu.memory_space<vmem>>, vector<1x16xf32>,
          %parallel_loop3A_417 = vector.shape_cast %parallel_loop3A_416 : vector<1x16xf32> to vector<16xf32>
          %parallel_loop3A_418 = arith.index_cast %scan3A_410 : i32 to index
          %parallel_loop3A_419 = arith.index_cast %parallel_loop3A_413 : i32 to index
          %parallel_loop3A_420 = tpu.vector_load %arg14[%parallel_loop3A_418, %parallel_loop3A_419] {strides = array<i32>} : memref<8x512xf32, #tpu.memory_space<vmem>>, vector<1x16xf32>,
          %parallel_loop3A_421 = vector.shape_cast %parallel_loop3A_420 : vector<1x16xf32> to vector<16xf32>
          %parallel_loop3A_422 = arith.constant 0.899999976 : f32
          %parallel_loop3A_423 = vector.broadcast %parallel_loop3A_422 : f32 to vector<16xf32>
          %parallel_loop3A_424 = arith.cmpf ogt, %parallel_loop3A_417, %parallel_loop3A_423 : vector<16xf32>
          %parallel_loop3A_425 = arith.constant 1.000000e-01 : f32
          %parallel_loop3A_426 = vector.broadcast %parallel_loop3A_425 : f32 to vector<16xf32>
          %parallel_loop3A_427 = arith.cmpf olt, %parallel_loop3A_417, %parallel_loop3A_426 : vector<16xf32>
          %parallel_loop3A_428 = arith.ori %parallel_loop3A_424, %parallel_loop3A_427 : vector<16xi1>
          %parallel_loop3A_429 = arith.select %parallel_loop3A_428, %parallel_loop3A_417, %parallel_loop3A_421 : vector<16xi1>, vector<16xf32>
          %parallel_loop3A_430 = arith.index_cast %scan3A_410 : i32 to index
          %parallel_loop3A_431 = arith.index_cast %parallel_loop3A_413 : i32 to index
          %parallel_loop3A_432 = tpu.vector_load %arg14[%parallel_loop3A_430, %parallel_loop3A_431] {strides = array<i32>} : memref<8x512xf32, #tpu.memory_space<vmem>>, vector<1x16xf32>,
          %parallel_loop3A_433 = vector.shape_cast %parallel_loop3A_432 : vector<1x16xf32> to vector<16xf32>
          %parallel_loop3A_434 = vector.shape_cast %parallel_loop3A_429 : vector<16xf32> to vector<1x16xf32>
          tpu.vector_store %arg14[%parallel_loop3A_430, %parallel_loop3A_431], %parallel_loop3A_434 {strides = array<i32>} : memref<8x512xf32, #tpu.memory_space<vmem>>, vector<1x16xf32>,
        } {sc.loop_unroll_factor = 8 : i64, sc.parallel_access}
      }
      %scan3A_150 = arith.constant 8 : i32
      %mul3A_151 = arith.constant 8 : i32
      %mul3A_152 = arith.muli %add3A_119, %mul3A_151 : i32
      %add3A_153 = arith.addi %mul3A_2, %mul3A_152 : i32
      %dma_start3A_154 = arith.constant 0 : i32
      %dma_start3A_155 = tpu.memref_slice %arg4[%add3A_153, %dma_start3A_154] : memref<32768x512xf32, #tpu.memory_space<hbm>> -> memref<8x512xf32, #tpu.memory_space<hbm>>
      %dma_start3A_156 = arith.constant 0 : i32
      %dma_start3A_157 = tpu.memref_slice %arg4[%add3A_153, %dma_start3A_156] : memref<32768x512xf32, #tpu.memory_space<hbm>> -> memref<8x512xf32, #tpu.memory_space<hbm>>
      tpu.enqueue_dma source(%arg14 : memref<8x512xf32, #tpu.memory_space<vmem>>) target(%dma_start3A_157 : memref<8x512xf32, #tpu.memory_space<hbm>>) target_semaphore(%arg30 : memref<!tpu.dma_semaphore, #tpu.memory_space<semaphore_mem>>)
      %mul3A_158 = arith.constant 8 : i32
      %mul3A_159 = arith.muli %mul3A_158, %scan3A_78 : i32
      %add3A_160 = arith.constant 2 : i32
      %add3A_161 = arith.addi %mul3A_159, %add3A_160 : i32
      %ge3A_162 = arith.constant 4 : i32
      %ge3A_163 = arith.cmpi sge, %add3A_161, %ge3A_162 : i32
      %add3A_164 = arith.constant 4 : i32
      %add3A_165 = arith.addi %add3A_161, %add3A_164 : i32
      %lt3A_166 = arith.constant 128 : i32
      %lt3A_167 = arith.cmpi slt, %add3A_165, %lt3A_166 : i32
      %and3A_168 = arith.andi %ge3A_163, %lt3A_167 : i1
      %convert_element_type3A_169 = arith.extui %and3A_168 : i1 to i32
      %cond3A_170 = arith.constant 0 : i32
      %cond3A_171 = arith.cmpi ne, %convert_element_type3A_169, %cond3A_170 : i32
      scf.if %cond3A_171 {
        %dma_wait3A_410 = arith.constant 0 : i32
        %dma_wait3A_411 = tpu.memref_slice %arg4[%mul3A_2, %dma_wait3A_410] : memref<32768x512xf32, #tpu.memory_space<hbm>> -> memref<8x512xf32, #tpu.memory_space<hbm>>
        %dma_wait3A_412 = arith.constant 0 : i32
        %dma_wait3A_413 = tpu.memref_slice %arg4[%mul3A_2, %dma_wait3A_412] : memref<32768x512xf32, #tpu.memory_space<hbm>> -> memref<8x512xf32, #tpu.memory_space<hbm>>
        tpu.wait_dma2 semaphore(%arg35 : memref<!tpu.dma_semaphore, #tpu.memory_space<semaphore_mem>>) src(%arg19 : memref<8x512xf32, #tpu.memory_space<vmem>>) dst(%dma_wait3A_413 : memref<8x512xf32, #tpu.memory_space<hbm>>)
      } else {
      }
      %add3A_172 = arith.constant 4 : i32
      %add3A_173 = arith.addi %add3A_161, %add3A_172 : i32
      %lt3A_174 = arith.constant 128 : i32
      %lt3A_175 = arith.cmpi slt, %add3A_173, %lt3A_174 : i32
      %convert_element_type3A_176 = arith.extui %lt3A_175 : i1 to i32
      %cond3A_177 = arith.constant 0 : i32
      %cond3A_178 = arith.cmpi ne, %convert_element_type3A_176, %cond3A_177 : i32
      scf.if %cond3A_178 {
        %add3A_410 = arith.constant 4 : i32
        %add3A_411 = arith.addi %add3A_161, %add3A_410 : i32
        %mul3A_412 = arith.constant 8 : i32
        %mul3A_413 = arith.muli %add3A_411, %mul3A_412 : i32
        %add3A_414 = arith.addi %mul3A_2, %mul3A_413 : i32
        %dma_start3A_415 = arith.constant 0 : i32
        %dma_start3A_416 = tpu.memref_slice %arg2[%add3A_414, %dma_start3A_415] : memref<32768x512xf32, #tpu.memory_space<hbm>> -> memref<8x512xf32, #tpu.memory_space<hbm>>
        %dma_start3A_417 = arith.constant 0 : i32
        %dma_start3A_418 = tpu.memref_slice %arg2[%add3A_414, %dma_start3A_417] : memref<32768x512xf32, #tpu.memory_space<hbm>> -> memref<8x512xf32, #tpu.memory_space<hbm>>
        tpu.enqueue_dma source(%dma_start3A_418 : memref<8x512xf32, #tpu.memory_space<hbm>>) target(%arg11 : memref<8x512xf32, #tpu.memory_space<vmem>>) target_semaphore(%arg27 : memref<!tpu.dma_semaphore, #tpu.memory_space<semaphore_mem>>)
        %dma_start3A_419 = arith.constant 0 : i32
        %dma_start3A_420 = tpu.memref_slice %arg3[%add3A_414, %dma_start3A_419] : memref<32768x512xf32, #tpu.memory_space<hbm>> -> memref<8x512xf32, #tpu.memory_space<hbm>>
        %dma_start3A_421 = arith.constant 0 : i32
        %dma_start3A_422 = tpu.memref_slice %arg3[%add3A_414, %dma_start3A_421] : memref<32768x512xf32, #tpu.memory_space<hbm>> -> memref<8x512xf32, #tpu.memory_space<hbm>>
        tpu.enqueue_dma source(%dma_start3A_422 : memref<8x512xf32, #tpu.memory_space<hbm>>) target(%arg19 : memref<8x512xf32, #tpu.memory_space<vmem>>) target_semaphore(%arg27 : memref<!tpu.dma_semaphore, #tpu.memory_space<semaphore_mem>>)
      } else {
      }
      %dma_wait3A_179 = arith.constant 0 : i32
      %dma_wait3A_180 = tpu.memref_slice %arg2[%mul3A_2, %dma_wait3A_179] : memref<32768x512xf32, #tpu.memory_space<hbm>> -> memref<8x512xf32, #tpu.memory_space<hbm>>
      %dma_wait3A_181 = arith.constant 0 : i32
      %dma_wait3A_182 = tpu.memref_slice %arg2[%mul3A_2, %dma_wait3A_181] : memref<32768x512xf32, #tpu.memory_space<hbm>> -> memref<8x512xf32, #tpu.memory_space<hbm>>
      tpu.wait_dma2 semaphore(%arg23 : memref<!tpu.dma_semaphore, #tpu.memory_space<semaphore_mem>>) src(%dma_wait3A_182 : memref<8x512xf32, #tpu.memory_space<hbm>>) dst(%arg7 : memref<8x512xf32, #tpu.memory_space<vmem>>)
      %dma_wait3A_183 = arith.constant 0 : i32
      %dma_wait3A_184 = tpu.memref_slice %arg3[%mul3A_2, %dma_wait3A_183] : memref<32768x512xf32, #tpu.memory_space<hbm>> -> memref<8x512xf32, #tpu.memory_space<hbm>>
      %dma_wait3A_185 = arith.constant 0 : i32
      %dma_wait3A_186 = tpu.memref_slice %arg3[%mul3A_2, %dma_wait3A_185] : memref<32768x512xf32, #tpu.memory_space<hbm>> -> memref<8x512xf32, #tpu.memory_space<hbm>>
      tpu.wait_dma2 semaphore(%arg23 : memref<!tpu.dma_semaphore, #tpu.memory_space<semaphore_mem>>) src(%dma_wait3A_186 : memref<8x512xf32, #tpu.memory_space<hbm>>) dst(%arg15 : memref<8x512xf32, #tpu.memory_space<vmem>>)
      %scan3A_187 = arith.constant 0 : i32
      %scan3A_188 = arith.constant 0 : i32
      %scan3A_189 = arith.constant 8 : i32
      %scan3A_190 = arith.addi %scan3A_188, %scan3A_189 : i32
      %scan3A_191 = arith.constant 1 : i32
      scf.for %scan3A_410 = %scan3A_188 to %scan3A_190 step %scan3A_191  : i32 {
        %parallel_loop3A = arith.constant 0 : i32
        %parallel_loop3A_411 = arith.constant 512 : i32
        %parallel_loop3A_412 = arith.constant 16 : i32
        scf.for %parallel_loop3A_413 = %parallel_loop3A to %parallel_loop3A_411 step %parallel_loop3A_412  : i32 {
          %parallel_loop3A_414 = arith.index_cast %scan3A_410 : i32 to index
          %parallel_loop3A_415 = arith.index_cast %parallel_loop3A_413 : i32 to index
          %parallel_loop3A_416 = tpu.vector_load %arg7[%parallel_loop3A_414, %parallel_loop3A_415] {strides = array<i32>} : memref<8x512xf32, #tpu.memory_space<vmem>>, vector<1x16xf32>,
          %parallel_loop3A_417 = vector.shape_cast %parallel_loop3A_416 : vector<1x16xf32> to vector<16xf32>
          %parallel_loop3A_418 = arith.index_cast %scan3A_410 : i32 to index
          %parallel_loop3A_419 = arith.index_cast %parallel_loop3A_413 : i32 to index
          %parallel_loop3A_420 = tpu.vector_load %arg15[%parallel_loop3A_418, %parallel_loop3A_419] {strides = array<i32>} : memref<8x512xf32, #tpu.memory_space<vmem>>, vector<1x16xf32>,
          %parallel_loop3A_421 = vector.shape_cast %parallel_loop3A_420 : vector<1x16xf32> to vector<16xf32>
          %parallel_loop3A_422 = arith.constant 0.899999976 : f32
          %parallel_loop3A_423 = vector.broadcast %parallel_loop3A_422 : f32 to vector<16xf32>
          %parallel_loop3A_424 = arith.cmpf ogt, %parallel_loop3A_417, %parallel_loop3A_423 : vector<16xf32>
          %parallel_loop3A_425 = arith.constant 1.000000e-01 : f32
          %parallel_loop3A_426 = vector.broadcast %parallel_loop3A_425 : f32 to vector<16xf32>
          %parallel_loop3A_427 = arith.cmpf olt, %parallel_loop3A_417, %parallel_loop3A_426 : vector<16xf32>
          %parallel_loop3A_428 = arith.ori %parallel_loop3A_424, %parallel_loop3A_427 : vector<16xi1>
          %parallel_loop3A_429 = arith.select %parallel_loop3A_428, %parallel_loop3A_417, %parallel_loop3A_421 : vector<16xi1>, vector<16xf32>
          %parallel_loop3A_430 = arith.index_cast %scan3A_410 : i32 to index
          %parallel_loop3A_431 = arith.index_cast %parallel_loop3A_413 : i32 to index
          %parallel_loop3A_432 = tpu.vector_load %arg15[%parallel_loop3A_430, %parallel_loop3A_431] {strides = array<i32>} : memref<8x512xf32, #tpu.memory_space<vmem>>, vector<1x16xf32>,
          %parallel_loop3A_433 = vector.shape_cast %parallel_loop3A_432 : vector<1x16xf32> to vector<16xf32>
          %parallel_loop3A_434 = vector.shape_cast %parallel_loop3A_429 : vector<16xf32> to vector<1x16xf32>
          tpu.vector_store %arg15[%parallel_loop3A_430, %parallel_loop3A_431], %parallel_loop3A_434 {strides = array<i32>} : memref<8x512xf32, #tpu.memory_space<vmem>>, vector<1x16xf32>,
        } {sc.loop_unroll_factor = 8 : i64, sc.parallel_access}
      }
      %scan3A_192 = arith.constant 8 : i32
      %mul3A_193 = arith.constant 8 : i32
      %mul3A_194 = arith.muli %add3A_161, %mul3A_193 : i32
      %add3A_195 = arith.addi %mul3A_2, %mul3A_194 : i32
      %dma_start3A_196 = arith.constant 0 : i32
      %dma_start3A_197 = tpu.memref_slice %arg4[%add3A_195, %dma_start3A_196] : memref<32768x512xf32, #tpu.memory_space<hbm>> -> memref<8x512xf32, #tpu.memory_space<hbm>>
      %dma_start3A_198 = arith.constant 0 : i32
      %dma_start3A_199 = tpu.memref_slice %arg4[%add3A_195, %dma_start3A_198] : memref<32768x512xf32, #tpu.memory_space<hbm>> -> memref<8x512xf32, #tpu.memory_space<hbm>>
      tpu.enqueue_dma source(%arg15 : memref<8x512xf32, #tpu.memory_space<vmem>>) target(%dma_start3A_199 : memref<8x512xf32, #tpu.memory_space<hbm>>) target_semaphore(%arg31 : memref<!tpu.dma_semaphore, #tpu.memory_space<semaphore_mem>>)
      %mul3A_200 = arith.constant 8 : i32
      %mul3A_201 = arith.muli %mul3A_200, %scan3A_78 : i32
      %add3A_202 = arith.constant 3 : i32
      %add3A_203 = arith.addi %mul3A_201, %add3A_202 : i32
      %ge3A_204 = arith.constant 4 : i32
      %ge3A_205 = arith.cmpi sge, %add3A_203, %ge3A_204 : i32
      %add3A_206 = arith.constant 4 : i32
      %add3A_207 = arith.addi %add3A_203, %add3A_206 : i32
      %lt3A_208 = arith.constant 128 : i32
      %lt3A_209 = arith.cmpi slt, %add3A_207, %lt3A_208 : i32
      %and3A_210 = arith.andi %ge3A_205, %lt3A_209 : i1
      %convert_element_type3A_211 = arith.extui %and3A_210 : i1 to i32
      %cond3A_212 = arith.constant 0 : i32
      %cond3A_213 = arith.cmpi ne, %convert_element_type3A_211, %cond3A_212 : i32
      scf.if %cond3A_213 {
        %dma_wait3A_410 = arith.constant 0 : i32
        %dma_wait3A_411 = tpu.memref_slice %arg4[%mul3A_2, %dma_wait3A_410] : memref<32768x512xf32, #tpu.memory_space<hbm>> -> memref<8x512xf32, #tpu.memory_space<hbm>>
        %dma_wait3A_412 = arith.constant 0 : i32
        %dma_wait3A_413 = tpu.memref_slice %arg4[%mul3A_2, %dma_wait3A_412] : memref<32768x512xf32, #tpu.memory_space<hbm>> -> memref<8x512xf32, #tpu.memory_space<hbm>>
        tpu.wait_dma2 semaphore(%arg36 : memref<!tpu.dma_semaphore, #tpu.memory_space<semaphore_mem>>) src(%arg20 : memref<8x512xf32, #tpu.memory_space<vmem>>) dst(%dma_wait3A_413 : memref<8x512xf32, #tpu.memory_space<hbm>>)
      } else {
      }
      %add3A_214 = arith.constant 4 : i32
      %add3A_215 = arith.addi %add3A_203, %add3A_214 : i32
      %lt3A_216 = arith.constant 128 : i32
      %lt3A_217 = arith.cmpi slt, %add3A_215, %lt3A_216 : i32
      %convert_element_type3A_218 = arith.extui %lt3A_217 : i1 to i32
      %cond3A_219 = arith.constant 0 : i32
      %cond3A_220 = arith.cmpi ne, %convert_element_type3A_218, %cond3A_219 : i32
      scf.if %cond3A_220 {
        %add3A_410 = arith.constant 4 : i32
        %add3A_411 = arith.addi %add3A_203, %add3A_410 : i32
        %mul3A_412 = arith.constant 8 : i32
        %mul3A_413 = arith.muli %add3A_411, %mul3A_412 : i32
        %add3A_414 = arith.addi %mul3A_2, %mul3A_413 : i32
        %dma_start3A_415 = arith.constant 0 : i32
        %dma_start3A_416 = tpu.memref_slice %arg2[%add3A_414, %dma_start3A_415] : memref<32768x512xf32, #tpu.memory_space<hbm>> -> memref<8x512xf32, #tpu.memory_space<hbm>>
        %dma_start3A_417 = arith.constant 0 : i32
        %dma_start3A_418 = tpu.memref_slice %arg2[%add3A_414, %dma_start3A_417] : memref<32768x512xf32, #tpu.memory_space<hbm>> -> memref<8x512xf32, #tpu.memory_space<hbm>>
        tpu.enqueue_dma source(%dma_start3A_418 : memref<8x512xf32, #tpu.memory_space<hbm>>) target(%arg12 : memref<8x512xf32, #tpu.memory_space<vmem>>) target_semaphore(%arg28 : memref<!tpu.dma_semaphore, #tpu.memory_space<semaphore_mem>>)
        %dma_start3A_419 = arith.constant 0 : i32
        %dma_start3A_420 = tpu.memref_slice %arg3[%add3A_414, %dma_start3A_419] : memref<32768x512xf32, #tpu.memory_space<hbm>> -> memref<8x512xf32, #tpu.memory_space<hbm>>
        %dma_start3A_421 = arith.constant 0 : i32
        %dma_start3A_422 = tpu.memref_slice %arg3[%add3A_414, %dma_start3A_421] : memref<32768x512xf32, #tpu.memory_space<hbm>> -> memref<8x512xf32, #tpu.memory_space<hbm>>
        tpu.enqueue_dma source(%dma_start3A_422 : memref<8x512xf32, #tpu.memory_space<hbm>>) target(%arg20 : memref<8x512xf32, #tpu.memory_space<vmem>>) target_semaphore(%arg28 : memref<!tpu.dma_semaphore, #tpu.memory_space<semaphore_mem>>)
      } else {
      }
      %dma_wait3A_221 = arith.constant 0 : i32
      %dma_wait3A_222 = tpu.memref_slice %arg2[%mul3A_2, %dma_wait3A_221] : memref<32768x512xf32, #tpu.memory_space<hbm>> -> memref<8x512xf32, #tpu.memory_space<hbm>>
      %dma_wait3A_223 = arith.constant 0 : i32
      %dma_wait3A_224 = tpu.memref_slice %arg2[%mul3A_2, %dma_wait3A_223] : memref<32768x512xf32, #tpu.memory_space<hbm>> -> memref<8x512xf32, #tpu.memory_space<hbm>>
      tpu.wait_dma2 semaphore(%arg24 : memref<!tpu.dma_semaphore, #tpu.memory_space<semaphore_mem>>) src(%dma_wait3A_224 : memref<8x512xf32, #tpu.memory_space<hbm>>) dst(%arg8 : memref<8x512xf32, #tpu.memory_space<vmem>>)
      %dma_wait3A_225 = arith.constant 0 : i32
      %dma_wait3A_226 = tpu.memref_slice %arg3[%mul3A_2, %dma_wait3A_225] : memref<32768x512xf32, #tpu.memory_space<hbm>> -> memref<8x512xf32, #tpu.memory_space<hbm>>
      %dma_wait3A_227 = arith.constant 0 : i32
      %dma_wait3A_228 = tpu.memref_slice %arg3[%mul3A_2, %dma_wait3A_227] : memref<32768x512xf32, #tpu.memory_space<hbm>> -> memref<8x512xf32, #tpu.memory_space<hbm>>
      tpu.wait_dma2 semaphore(%arg24 : memref<!tpu.dma_semaphore, #tpu.memory_space<semaphore_mem>>) src(%dma_wait3A_228 : memref<8x512xf32, #tpu.memory_space<hbm>>) dst(%arg16 : memref<8x512xf32, #tpu.memory_space<vmem>>)
      %scan3A_229 = arith.constant 0 : i32
      %scan3A_230 = arith.constant 0 : i32
      %scan3A_231 = arith.constant 8 : i32
      %scan3A_232 = arith.addi %scan3A_230, %scan3A_231 : i32
      %scan3A_233 = arith.constant 1 : i32
      scf.for %scan3A_410 = %scan3A_230 to %scan3A_232 step %scan3A_233  : i32 {
        %parallel_loop3A = arith.constant 0 : i32
        %parallel_loop3A_411 = arith.constant 512 : i32
        %parallel_loop3A_412 = arith.constant 16 : i32
        scf.for %parallel_loop3A_413 = %parallel_loop3A to %parallel_loop3A_411 step %parallel_loop3A_412  : i32 {
          %parallel_loop3A_414 = arith.index_cast %scan3A_410 : i32 to index
          %parallel_loop3A_415 = arith.index_cast %parallel_loop3A_413 : i32 to index
          %parallel_loop3A_416 = tpu.vector_load %arg8[%parallel_loop3A_414, %parallel_loop3A_415] {strides = array<i32>} : memref<8x512xf32, #tpu.memory_space<vmem>>, vector<1x16xf32>,
          %parallel_loop3A_417 = vector.shape_cast %parallel_loop3A_416 : vector<1x16xf32> to vector<16xf32>
          %parallel_loop3A_418 = arith.index_cast %scan3A_410 : i32 to index
          %parallel_loop3A_419 = arith.index_cast %parallel_loop3A_413 : i32 to index
          %parallel_loop3A_420 = tpu.vector_load %arg16[%parallel_loop3A_418, %parallel_loop3A_419] {strides = array<i32>} : memref<8x512xf32, #tpu.memory_space<vmem>>, vector<1x16xf32>,
          %parallel_loop3A_421 = vector.shape_cast %parallel_loop3A_420 : vector<1x16xf32> to vector<16xf32>
          %parallel_loop3A_422 = arith.constant 0.899999976 : f32
          %parallel_loop3A_423 = vector.broadcast %parallel_loop3A_422 : f32 to vector<16xf32>
          %parallel_loop3A_424 = arith.cmpf ogt, %parallel_loop3A_417, %parallel_loop3A_423 : vector<16xf32>
          %parallel_loop3A_425 = arith.constant 1.000000e-01 : f32
          %parallel_loop3A_426 = vector.broadcast %parallel_loop3A_425 : f32 to vector<16xf32>
          %parallel_loop3A_427 = arith.cmpf olt, %parallel_loop3A_417, %parallel_loop3A_426 : vector<16xf32>
          %parallel_loop3A_428 = arith.ori %parallel_loop3A_424, %parallel_loop3A_427 : vector<16xi1>
          %parallel_loop3A_429 = arith.select %parallel_loop3A_428, %parallel_loop3A_417, %parallel_loop3A_421 : vector<16xi1>, vector<16xf32>
          %parallel_loop3A_430 = arith.index_cast %scan3A_410 : i32 to index
          %parallel_loop3A_431 = arith.index_cast %parallel_loop3A_413 : i32 to index
          %parallel_loop3A_432 = tpu.vector_load %arg16[%parallel_loop3A_430, %parallel_loop3A_431] {strides = array<i32>} : memref<8x512xf32, #tpu.memory_space<vmem>>, vector<1x16xf32>,
          %parallel_loop3A_433 = vector.shape_cast %parallel_loop3A_432 : vector<1x16xf32> to vector<16xf32>
          %parallel_loop3A_434 = vector.shape_cast %parallel_loop3A_429 : vector<16xf32> to vector<1x16xf32>
          tpu.vector_store %arg16[%parallel_loop3A_430, %parallel_loop3A_431], %parallel_loop3A_434 {strides = array<i32>} : memref<8x512xf32, #tpu.memory_space<vmem>>, vector<1x16xf32>,
        } {sc.loop_unroll_factor = 8 : i64, sc.parallel_access}
      }
      %scan3A_234 = arith.constant 8 : i32
      %mul3A_235 = arith.constant 8 : i32
      %mul3A_236 = arith.muli %add3A_203, %mul3A_235 : i32
      %add3A_237 = arith.addi %mul3A_2, %mul3A_236 : i32
      %dma_start3A_238 = arith.constant 0 : i32
      %dma_start3A_239 = tpu.memref_slice %arg4[%add3A_237, %dma_start3A_238] : memref<32768x512xf32, #tpu.memory_space<hbm>> -> memref<8x512xf32, #tpu.memory_space<hbm>>
      %dma_start3A_240 = arith.constant 0 : i32
      %dma_start3A_241 = tpu.memref_slice %arg4[%add3A_237, %dma_start3A_240] : memref<32768x512xf32, #tpu.memory_space<hbm>> -> memref<8x512xf32, #tpu.memory_space<hbm>>
      tpu.enqueue_dma source(%arg16 : memref<8x512xf32, #tpu.memory_space<vmem>>) target(%dma_start3A_241 : memref<8x512xf32, #tpu.memory_space<hbm>>) target_semaphore(%arg32 : memref<!tpu.dma_semaphore, #tpu.memory_space<semaphore_mem>>)
      %mul3A_242 = arith.constant 8 : i32
      %mul3A_243 = arith.muli %mul3A_242, %scan3A_78 : i32
      %add3A_244 = arith.constant 4 : i32
      %add3A_245 = arith.addi %mul3A_243, %add3A_244 : i32
      %ge3A_246 = arith.constant 4 : i32
      %ge3A_247 = arith.cmpi sge, %add3A_245, %ge3A_246 : i32
      %add3A_248 = arith.constant 4 : i32
      %add3A_249 = arith.addi %add3A_245, %add3A_248 : i32
      %lt3A_250 = arith.constant 128 : i32
      %lt3A_251 = arith.cmpi slt, %add3A_249, %lt3A_250 : i32
      %and3A_252 = arith.andi %ge3A_247, %lt3A_251 : i1
      %convert_element_type3A_253 = arith.extui %and3A_252 : i1 to i32
      %cond3A_254 = arith.constant 0 : i32
      %cond3A_255 = arith.cmpi ne, %convert_element_type3A_253, %cond3A_254 : i32
      scf.if %cond3A_255 {
        %dma_wait3A_410 = arith.constant 0 : i32
        %dma_wait3A_411 = tpu.memref_slice %arg4[%mul3A_2, %dma_wait3A_410] : memref<32768x512xf32, #tpu.memory_space<hbm>> -> memref<8x512xf32, #tpu.memory_space<hbm>>
        %dma_wait3A_412 = arith.constant 0 : i32
        %dma_wait3A_413 = tpu.memref_slice %arg4[%mul3A_2, %dma_wait3A_412] : memref<32768x512xf32, #tpu.memory_space<hbm>> -> memref<8x512xf32, #tpu.memory_space<hbm>>
        tpu.wait_dma2 semaphore(%arg29 : memref<!tpu.dma_semaphore, #tpu.memory_space<semaphore_mem>>) src(%arg13 : memref<8x512xf32, #tpu.memory_space<vmem>>) dst(%dma_wait3A_413 : memref<8x512xf32, #tpu.memory_space<hbm>>)
      } else {
      }
      %add3A_256 = arith.constant 4 : i32
      %add3A_257 = arith.addi %add3A_245, %add3A_256 : i32
      %lt3A_258 = arith.constant 128 : i32
      %lt3A_259 = arith.cmpi slt, %add3A_257, %lt3A_258 : i32
      %convert_element_type3A_260 = arith.extui %lt3A_259 : i1 to i32
      %cond3A_261 = arith.constant 0 : i32
      %cond3A_262 = arith.cmpi ne, %convert_element_type3A_260, %cond3A_261 : i32
      scf.if %cond3A_262 {
        %add3A_410 = arith.constant 4 : i32
        %add3A_411 = arith.addi %add3A_245, %add3A_410 : i32
        %mul3A_412 = arith.constant 8 : i32
        %mul3A_413 = arith.muli %add3A_411, %mul3A_412 : i32
        %add3A_414 = arith.addi %mul3A_2, %mul3A_413 : i32
        %dma_start3A_415 = arith.constant 0 : i32
        %dma_start3A_416 = tpu.memref_slice %arg2[%add3A_414, %dma_start3A_415] : memref<32768x512xf32, #tpu.memory_space<hbm>> -> memref<8x512xf32, #tpu.memory_space<hbm>>
        %dma_start3A_417 = arith.constant 0 : i32
        %dma_start3A_418 = tpu.memref_slice %arg2[%add3A_414, %dma_start3A_417] : memref<32768x512xf32, #tpu.memory_space<hbm>> -> memref<8x512xf32, #tpu.memory_space<hbm>>
        tpu.enqueue_dma source(%dma_start3A_418 : memref<8x512xf32, #tpu.memory_space<hbm>>) target(%arg5 : memref<8x512xf32, #tpu.memory_space<vmem>>) target_semaphore(%arg21 : memref<!tpu.dma_semaphore, #tpu.memory_space<semaphore_mem>>)
        %dma_start3A_419 = arith.constant 0 : i32
        %dma_start3A_420 = tpu.memref_slice %arg3[%add3A_414, %dma_start3A_419] : memref<32768x512xf32, #tpu.memory_space<hbm>> -> memref<8x512xf32, #tpu.memory_space<hbm>>
        %dma_start3A_421 = arith.constant 0 : i32
        %dma_start3A_422 = tpu.memref_slice %arg3[%add3A_414, %dma_start3A_421] : memref<32768x512xf32, #tpu.memory_space<hbm>> -> memref<8x512xf32, #tpu.memory_space<hbm>>
        tpu.enqueue_dma source(%dma_start3A_422 : memref<8x512xf32, #tpu.memory_space<hbm>>) target(%arg13 : memref<8x512xf32, #tpu.memory_space<vmem>>) target_semaphore(%arg21 : memref<!tpu.dma_semaphore, #tpu.memory_space<semaphore_mem>>)
      } else {
      }
      %dma_wait3A_263 = arith.constant 0 : i32
      %dma_wait3A_264 = tpu.memref_slice %arg2[%mul3A_2, %dma_wait3A_263] : memref<32768x512xf32, #tpu.memory_space<hbm>> -> memref<8x512xf32, #tpu.memory_space<hbm>>
      %dma_wait3A_265 = arith.constant 0 : i32
      %dma_wait3A_266 = tpu.memref_slice %arg2[%mul3A_2, %dma_wait3A_265] : memref<32768x512xf32, #tpu.memory_space<hbm>> -> memref<8x512xf32, #tpu.memory_space<hbm>>
      tpu.wait_dma2 semaphore(%arg25 : memref<!tpu.dma_semaphore, #tpu.memory_space<semaphore_mem>>) src(%dma_wait3A_266 : memref<8x512xf32, #tpu.memory_space<hbm>>) dst(%arg9 : memref<8x512xf32, #tpu.memory_space<vmem>>)
      %dma_wait3A_267 = arith.constant 0 : i32
      %dma_wait3A_268 = tpu.memref_slice %arg3[%mul3A_2, %dma_wait3A_267] : memref<32768x512xf32, #tpu.memory_space<hbm>> -> memref<8x512xf32, #tpu.memory_space<hbm>>
      %dma_wait3A_269 = arith.constant 0 : i32
      %dma_wait3A_270 = tpu.memref_slice %arg3[%mul3A_2, %dma_wait3A_269] : memref<32768x512xf32, #tpu.memory_space<hbm>> -> memref<8x512xf32, #tpu.memory_space<hbm>>
      tpu.wait_dma2 semaphore(%arg25 : memref<!tpu.dma_semaphore, #tpu.memory_space<semaphore_mem>>) src(%dma_wait3A_270 : memref<8x512xf32, #tpu.memory_space<hbm>>) dst(%arg17 : memref<8x512xf32, #tpu.memory_space<vmem>>)
      %scan3A_271 = arith.constant 0 : i32
      %scan3A_272 = arith.constant 0 : i32
      %scan3A_273 = arith.constant 8 : i32
      %scan3A_274 = arith.addi %scan3A_272, %scan3A_273 : i32
      %scan3A_275 = arith.constant 1 : i32
      scf.for %scan3A_410 = %scan3A_272 to %scan3A_274 step %scan3A_275  : i32 {
        %parallel_loop3A = arith.constant 0 : i32
        %parallel_loop3A_411 = arith.constant 512 : i32
        %parallel_loop3A_412 = arith.constant 16 : i32
        scf.for %parallel_loop3A_413 = %parallel_loop3A to %parallel_loop3A_411 step %parallel_loop3A_412  : i32 {
          %parallel_loop3A_414 = arith.index_cast %scan3A_410 : i32 to index
          %parallel_loop3A_415 = arith.index_cast %parallel_loop3A_413 : i32 to index
          %parallel_loop3A_416 = tpu.vector_load %arg9[%parallel_loop3A_414, %parallel_loop3A_415] {strides = array<i32>} : memref<8x512xf32, #tpu.memory_space<vmem>>, vector<1x16xf32>,
          %parallel_loop3A_417 = vector.shape_cast %parallel_loop3A_416 : vector<1x16xf32> to vector<16xf32>
          %parallel_loop3A_418 = arith.index_cast %scan3A_410 : i32 to index
          %parallel_loop3A_419 = arith.index_cast %parallel_loop3A_413 : i32 to index
          %parallel_loop3A_420 = tpu.vector_load %arg17[%parallel_loop3A_418, %parallel_loop3A_419] {strides = array<i32>} : memref<8x512xf32, #tpu.memory_space<vmem>>, vector<1x16xf32>,
          %parallel_loop3A_421 = vector.shape_cast %parallel_loop3A_420 : vector<1x16xf32> to vector<16xf32>
          %parallel_loop3A_422 = arith.constant 0.899999976 : f32
          %parallel_loop3A_423 = vector.broadcast %parallel_loop3A_422 : f32 to vector<16xf32>
          %parallel_loop3A_424 = arith.cmpf ogt, %parallel_loop3A_417, %parallel_loop3A_423 : vector<16xf32>
          %parallel_loop3A_425 = arith.constant 1.000000e-01 : f32
          %parallel_loop3A_426 = vector.broadcast %parallel_loop3A_425 : f32 to vector<16xf32>
          %parallel_loop3A_427 = arith.cmpf olt, %parallel_loop3A_417, %parallel_loop3A_426 : vector<16xf32>
          %parallel_loop3A_428 = arith.ori %parallel_loop3A_424, %parallel_loop3A_427 : vector<16xi1>
          %parallel_loop3A_429 = arith.select %parallel_loop3A_428, %parallel_loop3A_417, %parallel_loop3A_421 : vector<16xi1>, vector<16xf32>
          %parallel_loop3A_430 = arith.index_cast %scan3A_410 : i32 to index
          %parallel_loop3A_431 = arith.index_cast %parallel_loop3A_413 : i32 to index
          %parallel_loop3A_432 = tpu.vector_load %arg17[%parallel_loop3A_430, %parallel_loop3A_431] {strides = array<i32>} : memref<8x512xf32, #tpu.memory_space<vmem>>, vector<1x16xf32>,
          %parallel_loop3A_433 = vector.shape_cast %parallel_loop3A_432 : vector<1x16xf32> to vector<16xf32>
          %parallel_loop3A_434 = vector.shape_cast %parallel_loop3A_429 : vector<16xf32> to vector<1x16xf32>
          tpu.vector_store %arg17[%parallel_loop3A_430, %parallel_loop3A_431], %parallel_loop3A_434 {strides = array<i32>} : memref<8x512xf32, #tpu.memory_space<vmem>>, vector<1x16xf32>,
        } {sc.loop_unroll_factor = 8 : i64, sc.parallel_access}
      }
      %scan3A_276 = arith.constant 8 : i32
      %mul3A_277 = arith.constant 8 : i32
      %mul3A_278 = arith.muli %add3A_245, %mul3A_277 : i32
      %add3A_279 = arith.addi %mul3A_2, %mul3A_278 : i32
      %dma_start3A_280 = arith.constant 0 : i32
      %dma_start3A_281 = tpu.memref_slice %arg4[%add3A_279, %dma_start3A_280] : memref<32768x512xf32, #tpu.memory_space<hbm>> -> memref<8x512xf32, #tpu.memory_space<hbm>>
      %dma_start3A_282 = arith.constant 0 : i32
      %dma_start3A_283 = tpu.memref_slice %arg4[%add3A_279, %dma_start3A_282] : memref<32768x512xf32, #tpu.memory_space<hbm>> -> memref<8x512xf32, #tpu.memory_space<hbm>>
      tpu.enqueue_dma source(%arg17 : memref<8x512xf32, #tpu.memory_space<vmem>>) target(%dma_start3A_283 : memref<8x512xf32, #tpu.memory_space<hbm>>) target_semaphore(%arg33 : memref<!tpu.dma_semaphore, #tpu.memory_space<semaphore_mem>>)
      %mul3A_284 = arith.constant 8 : i32
      %mul3A_285 = arith.muli %mul3A_284, %scan3A_78 : i32
      %add3A_286 = arith.constant 5 : i32
      %add3A_287 = arith.addi %mul3A_285, %add3A_286 : i32
      %ge3A_288 = arith.constant 4 : i32
      %ge3A_289 = arith.cmpi sge, %add3A_287, %ge3A_288 : i32
      %add3A_290 = arith.constant 4 : i32
      %add3A_291 = arith.addi %add3A_287, %add3A_290 : i32
      %lt3A_292 = arith.constant 128 : i32
      %lt3A_293 = arith.cmpi slt, %add3A_291, %lt3A_292 : i32
      %and3A_294 = arith.andi %ge3A_289, %lt3A_293 : i1
      %convert_element_type3A_295 = arith.extui %and3A_294 : i1 to i32
      %cond3A_296 = arith.constant 0 : i32
      %cond3A_297 = arith.cmpi ne, %convert_element_type3A_295, %cond3A_296 : i32
      scf.if %cond3A_297 {
        %dma_wait3A_410 = arith.constant 0 : i32
        %dma_wait3A_411 = tpu.memref_slice %arg4[%mul3A_2, %dma_wait3A_410] : memref<32768x512xf32, #tpu.memory_space<hbm>> -> memref<8x512xf32, #tpu.memory_space<hbm>>
        %dma_wait3A_412 = arith.constant 0 : i32
        %dma_wait3A_413 = tpu.memref_slice %arg4[%mul3A_2, %dma_wait3A_412] : memref<32768x512xf32, #tpu.memory_space<hbm>> -> memref<8x512xf32, #tpu.memory_space<hbm>>
        tpu.wait_dma2 semaphore(%arg30 : memref<!tpu.dma_semaphore, #tpu.memory_space<semaphore_mem>>) src(%arg14 : memref<8x512xf32, #tpu.memory_space<vmem>>) dst(%dma_wait3A_413 : memref<8x512xf32, #tpu.memory_space<hbm>>)
      } else {
      }
      %add3A_298 = arith.constant 4 : i32
      %add3A_299 = arith.addi %add3A_287, %add3A_298 : i32
      %lt3A_300 = arith.constant 128 : i32
      %lt3A_301 = arith.cmpi slt, %add3A_299, %lt3A_300 : i32
      %convert_element_type3A_302 = arith.extui %lt3A_301 : i1 to i32
      %cond3A_303 = arith.constant 0 : i32
      %cond3A_304 = arith.cmpi ne, %convert_element_type3A_302, %cond3A_303 : i32
      scf.if %cond3A_304 {
        %add3A_410 = arith.constant 4 : i32
        %add3A_411 = arith.addi %add3A_287, %add3A_410 : i32
        %mul3A_412 = arith.constant 8 : i32
        %mul3A_413 = arith.muli %add3A_411, %mul3A_412 : i32
        %add3A_414 = arith.addi %mul3A_2, %mul3A_413 : i32
        %dma_start3A_415 = arith.constant 0 : i32
        %dma_start3A_416 = tpu.memref_slice %arg2[%add3A_414, %dma_start3A_415] : memref<32768x512xf32, #tpu.memory_space<hbm>> -> memref<8x512xf32, #tpu.memory_space<hbm>>
        %dma_start3A_417 = arith.constant 0 : i32
        %dma_start3A_418 = tpu.memref_slice %arg2[%add3A_414, %dma_start3A_417] : memref<32768x512xf32, #tpu.memory_space<hbm>> -> memref<8x512xf32, #tpu.memory_space<hbm>>
        tpu.enqueue_dma source(%dma_start3A_418 : memref<8x512xf32, #tpu.memory_space<hbm>>) target(%arg6 : memref<8x512xf32, #tpu.memory_space<vmem>>) target_semaphore(%arg22 : memref<!tpu.dma_semaphore, #tpu.memory_space<semaphore_mem>>)
        %dma_start3A_419 = arith.constant 0 : i32
        %dma_start3A_420 = tpu.memref_slice %arg3[%add3A_414, %dma_start3A_419] : memref<32768x512xf32, #tpu.memory_space<hbm>> -> memref<8x512xf32, #tpu.memory_space<hbm>>
        %dma_start3A_421 = arith.constant 0 : i32
        %dma_start3A_422 = tpu.memref_slice %arg3[%add3A_414, %dma_start3A_421] : memref<32768x512xf32, #tpu.memory_space<hbm>> -> memref<8x512xf32, #tpu.memory_space<hbm>>
        tpu.enqueue_dma source(%dma_start3A_422 : memref<8x512xf32, #tpu.memory_space<hbm>>) target(%arg14 : memref<8x512xf32, #tpu.memory_space<vmem>>) target_semaphore(%arg22 : memref<!tpu.dma_semaphore, #tpu.memory_space<semaphore_mem>>)
      } else {
      }
      %dma_wait3A_305 = arith.constant 0 : i32
      %dma_wait3A_306 = tpu.memref_slice %arg2[%mul3A_2, %dma_wait3A_305] : memref<32768x512xf32, #tpu.memory_space<hbm>> -> memref<8x512xf32, #tpu.memory_space<hbm>>
      %dma_wait3A_307 = arith.constant 0 : i32
      %dma_wait3A_308 = tpu.memref_slice %arg2[%mul3A_2, %dma_wait3A_307] : memref<32768x512xf32, #tpu.memory_space<hbm>> -> memref<8x512xf32, #tpu.memory_space<hbm>>
      tpu.wait_dma2 semaphore(%arg26 : memref<!tpu.dma_semaphore, #tpu.memory_space<semaphore_mem>>) src(%dma_wait3A_308 : memref<8x512xf32, #tpu.memory_space<hbm>>) dst(%arg10 : memref<8x512xf32, #tpu.memory_space<vmem>>)
      %dma_wait3A_309 = arith.constant 0 : i32
      %dma_wait3A_310 = tpu.memref_slice %arg3[%mul3A_2, %dma_wait3A_309] : memref<32768x512xf32, #tpu.memory_space<hbm>> -> memref<8x512xf32, #tpu.memory_space<hbm>>
      %dma_wait3A_311 = arith.constant 0 : i32
      %dma_wait3A_312 = tpu.memref_slice %arg3[%mul3A_2, %dma_wait3A_311] : memref<32768x512xf32, #tpu.memory_space<hbm>> -> memref<8x512xf32, #tpu.memory_space<hbm>>
      tpu.wait_dma2 semaphore(%arg26 : memref<!tpu.dma_semaphore, #tpu.memory_space<semaphore_mem>>) src(%dma_wait3A_312 : memref<8x512xf32, #tpu.memory_space<hbm>>) dst(%arg18 : memref<8x512xf32, #tpu.memory_space<vmem>>)
      %scan3A_313 = arith.constant 0 : i32
      %scan3A_314 = arith.constant 0 : i32
      %scan3A_315 = arith.constant 8 : i32
      %scan3A_316 = arith.addi %scan3A_314, %scan3A_315 : i32
      %scan3A_317 = arith.constant 1 : i32
      scf.for %scan3A_410 = %scan3A_314 to %scan3A_316 step %scan3A_317  : i32 {
        %parallel_loop3A = arith.constant 0 : i32
        %parallel_loop3A_411 = arith.constant 512 : i32
        %parallel_loop3A_412 = arith.constant 16 : i32
        scf.for %parallel_loop3A_413 = %parallel_loop3A to %parallel_loop3A_411 step %parallel_loop3A_412  : i32 {
          %parallel_loop3A_414 = arith.index_cast %scan3A_410 : i32 to index
          %parallel_loop3A_415 = arith.index_cast %parallel_loop3A_413 : i32 to index
          %parallel_loop3A_416 = tpu.vector_load %arg10[%parallel_loop3A_414, %parallel_loop3A_415] {strides = array<i32>} : memref<8x512xf32, #tpu.memory_space<vmem>>, vector<1x16xf32>,
          %parallel_loop3A_417 = vector.shape_cast %parallel_loop3A_416 : vector<1x16xf32> to vector<16xf32>
          %parallel_loop3A_418 = arith.index_cast %scan3A_410 : i32 to index
          %parallel_loop3A_419 = arith.index_cast %parallel_loop3A_413 : i32 to index
          %parallel_loop3A_420 = tpu.vector_load %arg18[%parallel_loop3A_418, %parallel_loop3A_419] {strides = array<i32>} : memref<8x512xf32, #tpu.memory_space<vmem>>, vector<1x16xf32>,
          %parallel_loop3A_421 = vector.shape_cast %parallel_loop3A_420 : vector<1x16xf32> to vector<16xf32>
          %parallel_loop3A_422 = arith.constant 0.899999976 : f32
          %parallel_loop3A_423 = vector.broadcast %parallel_loop3A_422 : f32 to vector<16xf32>
          %parallel_loop3A_424 = arith.cmpf ogt, %parallel_loop3A_417, %parallel_loop3A_423 : vector<16xf32>
          %parallel_loop3A_425 = arith.constant 1.000000e-01 : f32
          %parallel_loop3A_426 = vector.broadcast %parallel_loop3A_425 : f32 to vector<16xf32>
          %parallel_loop3A_427 = arith.cmpf olt, %parallel_loop3A_417, %parallel_loop3A_426 : vector<16xf32>
          %parallel_loop3A_428 = arith.ori %parallel_loop3A_424, %parallel_loop3A_427 : vector<16xi1>
          %parallel_loop3A_429 = arith.select %parallel_loop3A_428, %parallel_loop3A_417, %parallel_loop3A_421 : vector<16xi1>, vector<16xf32>
          %parallel_loop3A_430 = arith.index_cast %scan3A_410 : i32 to index
          %parallel_loop3A_431 = arith.index_cast %parallel_loop3A_413 : i32 to index
          %parallel_loop3A_432 = tpu.vector_load %arg18[%parallel_loop3A_430, %parallel_loop3A_431] {strides = array<i32>} : memref<8x512xf32, #tpu.memory_space<vmem>>, vector<1x16xf32>,
          %parallel_loop3A_433 = vector.shape_cast %parallel_loop3A_432 : vector<1x16xf32> to vector<16xf32>
          %parallel_loop3A_434 = vector.shape_cast %parallel_loop3A_429 : vector<16xf32> to vector<1x16xf32>
          tpu.vector_store %arg18[%parallel_loop3A_430, %parallel_loop3A_431], %parallel_loop3A_434 {strides = array<i32>} : memref<8x512xf32, #tpu.memory_space<vmem>>, vector<1x16xf32>,
        } {sc.loop_unroll_factor = 8 : i64, sc.parallel_access}
      }
      %scan3A_318 = arith.constant 8 : i32
      %mul3A_319 = arith.constant 8 : i32
      %mul3A_320 = arith.muli %add3A_287, %mul3A_319 : i32
      %add3A_321 = arith.addi %mul3A_2, %mul3A_320 : i32
      %dma_start3A_322 = arith.constant 0 : i32
      %dma_start3A_323 = tpu.memref_slice %arg4[%add3A_321, %dma_start3A_322] : memref<32768x512xf32, #tpu.memory_space<hbm>> -> memref<8x512xf32, #tpu.memory_space<hbm>>
      %dma_start3A_324 = arith.constant 0 : i32
      %dma_start3A_325 = tpu.memref_slice %arg4[%add3A_321, %dma_start3A_324] : memref<32768x512xf32, #tpu.memory_space<hbm>> -> memref<8x512xf32, #tpu.memory_space<hbm>>
      tpu.enqueue_dma source(%arg18 : memref<8x512xf32, #tpu.memory_space<vmem>>) target(%dma_start3A_325 : memref<8x512xf32, #tpu.memory_space<hbm>>) target_semaphore(%arg34 : memref<!tpu.dma_semaphore, #tpu.memory_space<semaphore_mem>>)
      %mul3A_326 = arith.constant 8 : i32
      %mul3A_327 = arith.muli %mul3A_326, %scan3A_78 : i32
      %add3A_328 = arith.constant 6 : i32
      %add3A_329 = arith.addi %mul3A_327, %add3A_328 : i32
      %ge3A_330 = arith.constant 4 : i32
      %ge3A_331 = arith.cmpi sge, %add3A_329, %ge3A_330 : i32
      %add3A_332 = arith.constant 4 : i32
      %add3A_333 = arith.addi %add3A_329, %add3A_332 : i32
      %lt3A_334 = arith.constant 128 : i32
      %lt3A_335 = arith.cmpi slt, %add3A_333, %lt3A_334 : i32
      %and3A_336 = arith.andi %ge3A_331, %lt3A_335 : i1
      %convert_element_type3A_337 = arith.extui %and3A_336 : i1 to i32
      %cond3A_338 = arith.constant 0 : i32
      %cond3A_339 = arith.cmpi ne, %convert_element_type3A_337, %cond3A_338 : i32
      scf.if %cond3A_339 {
        %dma_wait3A_410 = arith.constant 0 : i32
        %dma_wait3A_411 = tpu.memref_slice %arg4[%mul3A_2, %dma_wait3A_410] : memref<32768x512xf32, #tpu.memory_space<hbm>> -> memref<8x512xf32, #tpu.memory_space<hbm>>
        %dma_wait3A_412 = arith.constant 0 : i32
        %dma_wait3A_413 = tpu.memref_slice %arg4[%mul3A_2, %dma_wait3A_412] : memref<32768x512xf32, #tpu.memory_space<hbm>> -> memref<8x512xf32, #tpu.memory_space<hbm>>
        tpu.wait_dma2 semaphore(%arg31 : memref<!tpu.dma_semaphore, #tpu.memory_space<semaphore_mem>>) src(%arg15 : memref<8x512xf32, #tpu.memory_space<vmem>>) dst(%dma_wait3A_413 : memref<8x512xf32, #tpu.memory_space<hbm>>)
      } else {
      }
      %add3A_340 = arith.constant 4 : i32
      %add3A_341 = arith.addi %add3A_329, %add3A_340 : i32
      %lt3A_342 = arith.constant 128 : i32
      %lt3A_343 = arith.cmpi slt, %add3A_341, %lt3A_342 : i32
      %convert_element_type3A_344 = arith.extui %lt3A_343 : i1 to i32
      %cond3A_345 = arith.constant 0 : i32
      %cond3A_346 = arith.cmpi ne, %convert_element_type3A_344, %cond3A_345 : i32
      scf.if %cond3A_346 {
        %add3A_410 = arith.constant 4 : i32
        %add3A_411 = arith.addi %add3A_329, %add3A_410 : i32
        %mul3A_412 = arith.constant 8 : i32
        %mul3A_413 = arith.muli %add3A_411, %mul3A_412 : i32
        %add3A_414 = arith.addi %mul3A_2, %mul3A_413 : i32
        %dma_start3A_415 = arith.constant 0 : i32
        %dma_start3A_416 = tpu.memref_slice %arg2[%add3A_414, %dma_start3A_415] : memref<32768x512xf32, #tpu.memory_space<hbm>> -> memref<8x512xf32, #tpu.memory_space<hbm>>
        %dma_start3A_417 = arith.constant 0 : i32
        %dma_start3A_418 = tpu.memref_slice %arg2[%add3A_414, %dma_start3A_417] : memref<32768x512xf32, #tpu.memory_space<hbm>> -> memref<8x512xf32, #tpu.memory_space<hbm>>
        tpu.enqueue_dma source(%dma_start3A_418 : memref<8x512xf32, #tpu.memory_space<hbm>>) target(%arg7 : memref<8x512xf32, #tpu.memory_space<vmem>>) target_semaphore(%arg23 : memref<!tpu.dma_semaphore, #tpu.memory_space<semaphore_mem>>)
        %dma_start3A_419 = arith.constant 0 : i32
        %dma_start3A_420 = tpu.memref_slice %arg3[%add3A_414, %dma_start3A_419] : memref<32768x512xf32, #tpu.memory_space<hbm>> -> memref<8x512xf32, #tpu.memory_space<hbm>>
        %dma_start3A_421 = arith.constant 0 : i32
        %dma_start3A_422 = tpu.memref_slice %arg3[%add3A_414, %dma_start3A_421] : memref<32768x512xf32, #tpu.memory_space<hbm>> -> memref<8x512xf32, #tpu.memory_space<hbm>>
        tpu.enqueue_dma source(%dma_start3A_422 : memref<8x512xf32, #tpu.memory_space<hbm>>) target(%arg15 : memref<8x512xf32, #tpu.memory_space<vmem>>) target_semaphore(%arg23 : memref<!tpu.dma_semaphore, #tpu.memory_space<semaphore_mem>>)
      } else {
      }
      %dma_wait3A_347 = arith.constant 0 : i32
      %dma_wait3A_348 = tpu.memref_slice %arg2[%mul3A_2, %dma_wait3A_347] : memref<32768x512xf32, #tpu.memory_space<hbm>> -> memref<8x512xf32, #tpu.memory_space<hbm>>
      %dma_wait3A_349 = arith.constant 0 : i32
      %dma_wait3A_350 = tpu.memref_slice %arg2[%mul3A_2, %dma_wait3A_349] : memref<32768x512xf32, #tpu.memory_space<hbm>> -> memref<8x512xf32, #tpu.memory_space<hbm>>
      tpu.wait_dma2 semaphore(%arg27 : memref<!tpu.dma_semaphore, #tpu.memory_space<semaphore_mem>>) src(%dma_wait3A_350 : memref<8x512xf32, #tpu.memory_space<hbm>>) dst(%arg11 : memref<8x512xf32, #tpu.memory_space<vmem>>)
      %dma_wait3A_351 = arith.constant 0 : i32
      %dma_wait3A_352 = tpu.memref_slice %arg3[%mul3A_2, %dma_wait3A_351] : memref<32768x512xf32, #tpu.memory_space<hbm>> -> memref<8x512xf32, #tpu.memory_space<hbm>>
      %dma_wait3A_353 = arith.constant 0 : i32
      %dma_wait3A_354 = tpu.memref_slice %arg3[%mul3A_2, %dma_wait3A_353] : memref<32768x512xf32, #tpu.memory_space<hbm>> -> memref<8x512xf32, #tpu.memory_space<hbm>>
      tpu.wait_dma2 semaphore(%arg27 : memref<!tpu.dma_semaphore, #tpu.memory_space<semaphore_mem>>) src(%dma_wait3A_354 : memref<8x512xf32, #tpu.memory_space<hbm>>) dst(%arg19 : memref<8x512xf32, #tpu.memory_space<vmem>>)
      %scan3A_355 = arith.constant 0 : i32
      %scan3A_356 = arith.constant 0 : i32
      %scan3A_357 = arith.constant 8 : i32
      %scan3A_358 = arith.addi %scan3A_356, %scan3A_357 : i32
      %scan3A_359 = arith.constant 1 : i32
      scf.for %scan3A_410 = %scan3A_356 to %scan3A_358 step %scan3A_359  : i32 {
        %parallel_loop3A = arith.constant 0 : i32
        %parallel_loop3A_411 = arith.constant 512 : i32
        %parallel_loop3A_412 = arith.constant 16 : i32
        scf.for %parallel_loop3A_413 = %parallel_loop3A to %parallel_loop3A_411 step %parallel_loop3A_412  : i32 {
          %parallel_loop3A_414 = arith.index_cast %scan3A_410 : i32 to index
          %parallel_loop3A_415 = arith.index_cast %parallel_loop3A_413 : i32 to index
          %parallel_loop3A_416 = tpu.vector_load %arg11[%parallel_loop3A_414, %parallel_loop3A_415] {strides = array<i32>} : memref<8x512xf32, #tpu.memory_space<vmem>>, vector<1x16xf32>,
          %parallel_loop3A_417 = vector.shape_cast %parallel_loop3A_416 : vector<1x16xf32> to vector<16xf32>
          %parallel_loop3A_418 = arith.index_cast %scan3A_410 : i32 to index
          %parallel_loop3A_419 = arith.index_cast %parallel_loop3A_413 : i32 to index
          %parallel_loop3A_420 = tpu.vector_load %arg19[%parallel_loop3A_418, %parallel_loop3A_419] {strides = array<i32>} : memref<8x512xf32, #tpu.memory_space<vmem>>, vector<1x16xf32>,
          %parallel_loop3A_421 = vector.shape_cast %parallel_loop3A_420 : vector<1x16xf32> to vector<16xf32>
          %parallel_loop3A_422 = arith.constant 0.899999976 : f32
          %parallel_loop3A_423 = vector.broadcast %parallel_loop3A_422 : f32 to vector<16xf32>
          %parallel_loop3A_424 = arith.cmpf ogt, %parallel_loop3A_417, %parallel_loop3A_423 : vector<16xf32>
          %parallel_loop3A_425 = arith.constant 1.000000e-01 : f32
          %parallel_loop3A_426 = vector.broadcast %parallel_loop3A_425 : f32 to vector<16xf32>
          %parallel_loop3A_427 = arith.cmpf olt, %parallel_loop3A_417, %parallel_loop3A_426 : vector<16xf32>
          %parallel_loop3A_428 = arith.ori %parallel_loop3A_424, %parallel_loop3A_427 : vector<16xi1>
          %parallel_loop3A_429 = arith.select %parallel_loop3A_428, %parallel_loop3A_417, %parallel_loop3A_421 : vector<16xi1>, vector<16xf32>
          %parallel_loop3A_430 = arith.index_cast %scan3A_410 : i32 to index
          %parallel_loop3A_431 = arith.index_cast %parallel_loop3A_413 : i32 to index
          %parallel_loop3A_432 = tpu.vector_load %arg19[%parallel_loop3A_430, %parallel_loop3A_431] {strides = array<i32>} : memref<8x512xf32, #tpu.memory_space<vmem>>, vector<1x16xf32>,
          %parallel_loop3A_433 = vector.shape_cast %parallel_loop3A_432 : vector<1x16xf32> to vector<16xf32>
          %parallel_loop3A_434 = vector.shape_cast %parallel_loop3A_429 : vector<16xf32> to vector<1x16xf32>
          tpu.vector_store %arg19[%parallel_loop3A_430, %parallel_loop3A_431], %parallel_loop3A_434 {strides = array<i32>} : memref<8x512xf32, #tpu.memory_space<vmem>>, vector<1x16xf32>,
        } {sc.loop_unroll_factor = 8 : i64, sc.parallel_access}
      }
      %scan3A_360 = arith.constant 8 : i32
      %mul3A_361 = arith.constant 8 : i32
      %mul3A_362 = arith.muli %add3A_329, %mul3A_361 : i32
      %add3A_363 = arith.addi %mul3A_2, %mul3A_362 : i32
      %dma_start3A_364 = arith.constant 0 : i32
      %dma_start3A_365 = tpu.memref_slice %arg4[%add3A_363, %dma_start3A_364] : memref<32768x512xf32, #tpu.memory_space<hbm>> -> memref<8x512xf32, #tpu.memory_space<hbm>>
      %dma_start3A_366 = arith.constant 0 : i32
      %dma_start3A_367 = tpu.memref_slice %arg4[%add3A_363, %dma_start3A_366] : memref<32768x512xf32, #tpu.memory_space<hbm>> -> memref<8x512xf32, #tpu.memory_space<hbm>>
      tpu.enqueue_dma source(%arg19 : memref<8x512xf32, #tpu.memory_space<vmem>>) target(%dma_start3A_367 : memref<8x512xf32, #tpu.memory_space<hbm>>) target_semaphore(%arg35 : memref<!tpu.dma_semaphore, #tpu.memory_space<semaphore_mem>>)
      %mul3A_368 = arith.constant 8 : i32
      %mul3A_369 = arith.muli %mul3A_368, %scan3A_78 : i32
      %add3A_370 = arith.constant 7 : i32
      %add3A_371 = arith.addi %mul3A_369, %add3A_370 : i32
      %ge3A_372 = arith.constant 4 : i32
      %ge3A_373 = arith.cmpi sge, %add3A_371, %ge3A_372 : i32
      %add3A_374 = arith.constant 4 : i32
      %add3A_375 = arith.addi %add3A_371, %add3A_374 : i32
      %lt3A_376 = arith.constant 128 : i32
      %lt3A_377 = arith.cmpi slt, %add3A_375, %lt3A_376 : i32
      %and3A_378 = arith.andi %ge3A_373, %lt3A_377 : i1
      %convert_element_type3A_379 = arith.extui %and3A_378 : i1 to i32
      %cond3A_380 = arith.constant 0 : i32
      %cond3A_381 = arith.cmpi ne, %convert_element_type3A_379, %cond3A_380 : i32
      scf.if %cond3A_381 {
        %dma_wait3A_410 = arith.constant 0 : i32
        %dma_wait3A_411 = tpu.memref_slice %arg4[%mul3A_2, %dma_wait3A_410] : memref<32768x512xf32, #tpu.memory_space<hbm>> -> memref<8x512xf32, #tpu.memory_space<hbm>>
        %dma_wait3A_412 = arith.constant 0 : i32
        %dma_wait3A_413 = tpu.memref_slice %arg4[%mul3A_2, %dma_wait3A_412] : memref<32768x512xf32, #tpu.memory_space<hbm>> -> memref<8x512xf32, #tpu.memory_space<hbm>>
        tpu.wait_dma2 semaphore(%arg32 : memref<!tpu.dma_semaphore, #tpu.memory_space<semaphore_mem>>) src(%arg16 : memref<8x512xf32, #tpu.memory_space<vmem>>) dst(%dma_wait3A_413 : memref<8x512xf32, #tpu.memory_space<hbm>>)
      } else {
      }
      %add3A_382 = arith.constant 4 : i32
      %add3A_383 = arith.addi %add3A_371, %add3A_382 : i32
      %lt3A_384 = arith.constant 128 : i32
      %lt3A_385 = arith.cmpi slt, %add3A_383, %lt3A_384 : i32
      %convert_element_type3A_386 = arith.extui %lt3A_385 : i1 to i32
      %cond3A_387 = arith.constant 0 : i32
      %cond3A_388 = arith.cmpi ne, %convert_element_type3A_386, %cond3A_387 : i32
      scf.if %cond3A_388 {
        %add3A_410 = arith.constant 4 : i32
        %add3A_411 = arith.addi %add3A_371, %add3A_410 : i32
        %mul3A_412 = arith.constant 8 : i32
        %mul3A_413 = arith.muli %add3A_411, %mul3A_412 : i32
        %add3A_414 = arith.addi %mul3A_2, %mul3A_413 : i32
        %dma_start3A_415 = arith.constant 0 : i32
        %dma_start3A_416 = tpu.memref_slice %arg2[%add3A_414, %dma_start3A_415] : memref<32768x512xf32, #tpu.memory_space<hbm>> -> memref<8x512xf32, #tpu.memory_space<hbm>>
        %dma_start3A_417 = arith.constant 0 : i32
        %dma_start3A_418 = tpu.memref_slice %arg2[%add3A_414, %dma_start3A_417] : memref<32768x512xf32, #tpu.memory_space<hbm>> -> memref<8x512xf32, #tpu.memory_space<hbm>>
        tpu.enqueue_dma source(%dma_start3A_418 : memref<8x512xf32, #tpu.memory_space<hbm>>) target(%arg8 : memref<8x512xf32, #tpu.memory_space<vmem>>) target_semaphore(%arg24 : memref<!tpu.dma_semaphore, #tpu.memory_space<semaphore_mem>>)
        %dma_start3A_419 = arith.constant 0 : i32
        %dma_start3A_420 = tpu.memref_slice %arg3[%add3A_414, %dma_start3A_419] : memref<32768x512xf32, #tpu.memory_space<hbm>> -> memref<8x512xf32, #tpu.memory_space<hbm>>
        %dma_start3A_421 = arith.constant 0 : i32
        %dma_start3A_422 = tpu.memref_slice %arg3[%add3A_414, %dma_start3A_421] : memref<32768x512xf32, #tpu.memory_space<hbm>> -> memref<8x512xf32, #tpu.memory_space<hbm>>
        tpu.enqueue_dma source(%dma_start3A_422 : memref<8x512xf32, #tpu.memory_space<hbm>>) target(%arg16 : memref<8x512xf32, #tpu.memory_space<vmem>>) target_semaphore(%arg24 : memref<!tpu.dma_semaphore, #tpu.memory_space<semaphore_mem>>)
      } else {
      }
      %dma_wait3A_389 = arith.constant 0 : i32
      %dma_wait3A_390 = tpu.memref_slice %arg2[%mul3A_2, %dma_wait3A_389] : memref<32768x512xf32, #tpu.memory_space<hbm>> -> memref<8x512xf32, #tpu.memory_space<hbm>>
      %dma_wait3A_391 = arith.constant 0 : i32
      %dma_wait3A_392 = tpu.memref_slice %arg2[%mul3A_2, %dma_wait3A_391] : memref<32768x512xf32, #tpu.memory_space<hbm>> -> memref<8x512xf32, #tpu.memory_space<hbm>>
      tpu.wait_dma2 semaphore(%arg28 : memref<!tpu.dma_semaphore, #tpu.memory_space<semaphore_mem>>) src(%dma_wait3A_392 : memref<8x512xf32, #tpu.memory_space<hbm>>) dst(%arg12 : memref<8x512xf32, #tpu.memory_space<vmem>>)
      %dma_wait3A_393 = arith.constant 0 : i32
      %dma_wait3A_394 = tpu.memref_slice %arg3[%mul3A_2, %dma_wait3A_393] : memref<32768x512xf32, #tpu.memory_space<hbm>> -> memref<8x512xf32, #tpu.memory_space<hbm>>
      %dma_wait3A_395 = arith.constant 0 : i32
      %dma_wait3A_396 = tpu.memref_slice %arg3[%mul3A_2, %dma_wait3A_395] : memref<32768x512xf32, #tpu.memory_space<hbm>> -> memref<8x512xf32, #tpu.memory_space<hbm>>
      tpu.wait_dma2 semaphore(%arg28 : memref<!tpu.dma_semaphore, #tpu.memory_space<semaphore_mem>>) src(%dma_wait3A_396 : memref<8x512xf32, #tpu.memory_space<hbm>>) dst(%arg20 : memref<8x512xf32, #tpu.memory_space<vmem>>)
      %scan3A_397 = arith.constant 0 : i32
      %scan3A_398 = arith.constant 0 : i32
      %scan3A_399 = arith.constant 8 : i32
      %scan3A_400 = arith.addi %scan3A_398, %scan3A_399 : i32
      %scan3A_401 = arith.constant 1 : i32
      scf.for %scan3A_410 = %scan3A_398 to %scan3A_400 step %scan3A_401  : i32 {
        %parallel_loop3A = arith.constant 0 : i32
        %parallel_loop3A_411 = arith.constant 512 : i32
        %parallel_loop3A_412 = arith.constant 16 : i32
        scf.for %parallel_loop3A_413 = %parallel_loop3A to %parallel_loop3A_411 step %parallel_loop3A_412  : i32 {
          %parallel_loop3A_414 = arith.index_cast %scan3A_410 : i32 to index
          %parallel_loop3A_415 = arith.index_cast %parallel_loop3A_413 : i32 to index
          %parallel_loop3A_416 = tpu.vector_load %arg12[%parallel_loop3A_414, %parallel_loop3A_415] {strides = array<i32>} : memref<8x512xf32, #tpu.memory_space<vmem>>, vector<1x16xf32>,
          %parallel_loop3A_417 = vector.shape_cast %parallel_loop3A_416 : vector<1x16xf32> to vector<16xf32>
          %parallel_loop3A_418 = arith.index_cast %scan3A_410 : i32 to index
          %parallel_loop3A_419 = arith.index_cast %parallel_loop3A_413 : i32 to index
          %parallel_loop3A_420 = tpu.vector_load %arg20[%parallel_loop3A_418, %parallel_loop3A_419] {strides = array<i32>} : memref<8x512xf32, #tpu.memory_space<vmem>>, vector<1x16xf32>,
          %parallel_loop3A_421 = vector.shape_cast %parallel_loop3A_420 : vector<1x16xf32> to vector<16xf32>
          %parallel_loop3A_422 = arith.constant 0.899999976 : f32
          %parallel_loop3A_423 = vector.broadcast %parallel_loop3A_422 : f32 to vector<16xf32>
          %parallel_loop3A_424 = arith.cmpf ogt, %parallel_loop3A_417, %parallel_loop3A_423 : vector<16xf32>
          %parallel_loop3A_425 = arith.constant 1.000000e-01 : f32
          %parallel_loop3A_426 = vector.broadcast %parallel_loop3A_425 : f32 to vector<16xf32>
          %parallel_loop3A_427 = arith.cmpf olt, %parallel_loop3A_417, %parallel_loop3A_426 : vector<16xf32>
          %parallel_loop3A_428 = arith.ori %parallel_loop3A_424, %parallel_loop3A_427 : vector<16xi1>
          %parallel_loop3A_429 = arith.select %parallel_loop3A_428, %parallel_loop3A_417, %parallel_loop3A_421 : vector<16xi1>, vector<16xf32>
          %parallel_loop3A_430 = arith.index_cast %scan3A_410 : i32 to index
          %parallel_loop3A_431 = arith.index_cast %parallel_loop3A_413 : i32 to index
          %parallel_loop3A_432 = tpu.vector_load %arg20[%parallel_loop3A_430, %parallel_loop3A_431] {strides = array<i32>} : memref<8x512xf32, #tpu.memory_space<vmem>>, vector<1x16xf32>,
          %parallel_loop3A_433 = vector.shape_cast %parallel_loop3A_432 : vector<1x16xf32> to vector<16xf32>
          %parallel_loop3A_434 = vector.shape_cast %parallel_loop3A_429 : vector<16xf32> to vector<1x16xf32>
          tpu.vector_store %arg20[%parallel_loop3A_430, %parallel_loop3A_431], %parallel_loop3A_434 {strides = array<i32>} : memref<8x512xf32, #tpu.memory_space<vmem>>, vector<1x16xf32>,
        } {sc.loop_unroll_factor = 8 : i64, sc.parallel_access}
      }
      %scan3A_402 = arith.constant 8 : i32
      %mul3A_403 = arith.constant 8 : i32
      %mul3A_404 = arith.muli %add3A_371, %mul3A_403 : i32
      %add3A_405 = arith.addi %mul3A_2, %mul3A_404 : i32
      %dma_start3A_406 = arith.constant 0 : i32
      %dma_start3A_407 = tpu.memref_slice %arg4[%add3A_405, %dma_start3A_406] : memref<32768x512xf32, #tpu.memory_space<hbm>> -> memref<8x512xf32, #tpu.memory_space<hbm>>
      %dma_start3A_408 = arith.constant 0 : i32
      %dma_start3A_409 = tpu.memref_slice %arg4[%add3A_405, %dma_start3A_408] : memref<32768x512xf32, #tpu.memory_space<hbm>> -> memref<8x512xf32, #tpu.memory_space<hbm>>
      tpu.enqueue_dma source(%arg20 : memref<8x512xf32, #tpu.memory_space<vmem>>) target(%dma_start3A_409 : memref<8x512xf32, #tpu.memory_space<hbm>>) target_semaphore(%arg36 : memref<!tpu.dma_semaphore, #tpu.memory_space<semaphore_mem>>)
    }
    %scan3A_46 = arith.constant 16 : i32
    %dma_wait3A = arith.constant 0 : i32
    %dma_wait3A_47 = tpu.memref_slice %arg4[%mul3A_2, %dma_wait3A] : memref<32768x512xf32, #tpu.memory_space<hbm>> -> memref<8x512xf32, #tpu.memory_space<hbm>>
    %dma_wait3A_48 = arith.constant 0 : i32
    %dma_wait3A_49 = tpu.memref_slice %arg4[%mul3A_2, %dma_wait3A_48] : memref<32768x512xf32, #tpu.memory_space<hbm>> -> memref<8x512xf32, #tpu.memory_space<hbm>>
    tpu.wait_dma2 semaphore(%arg29 : memref<!tpu.dma_semaphore, #tpu.memory_space<semaphore_mem>>) src(%arg13 : memref<8x512xf32, #tpu.memory_space<vmem>>) dst(%dma_wait3A_49 : memref<8x512xf32, #tpu.memory_space<hbm>>)
    %dma_wait3A_50 = arith.constant 0 : i32
    %dma_wait3A_51 = tpu.memref_slice %arg4[%mul3A_2, %dma_wait3A_50] : memref<32768x512xf32, #tpu.memory_space<hbm>> -> memref<8x512xf32, #tpu.memory_space<hbm>>
    %dma_wait3A_52 = arith.constant 0 : i32
    %dma_wait3A_53 = tpu.memref_slice %arg4[%mul3A_2, %dma_wait3A_52] : memref<32768x512xf32, #tpu.memory_space<hbm>> -> memref<8x512xf32, #tpu.memory_space<hbm>>
    tpu.wait_dma2 semaphore(%arg30 : memref<!tpu.dma_semaphore, #tpu.memory_space<semaphore_mem>>) src(%arg14 : memref<8x512xf32, #tpu.memory_space<vmem>>) dst(%dma_wait3A_53 : memref<8x512xf32, #tpu.memory_space<hbm>>)
    %dma_wait3A_54 = arith.constant 0 : i32
    %dma_wait3A_55 = tpu.memref_slice %arg4[%mul3A_2, %dma_wait3A_54] : memref<32768x512xf32, #tpu.memory_space<hbm>> -> memref<8x512xf32, #tpu.memory_space<hbm>>
    %dma_wait3A_56 = arith.constant 0 : i32
    %dma_wait3A_57 = tpu.memref_slice %arg4[%mul3A_2, %dma_wait3A_56] : memref<32768x512xf32, #tpu.memory_space<hbm>> -> memref<8x512xf32, #tpu.memory_space<hbm>>
    tpu.wait_dma2 semaphore(%arg31 : memref<!tpu.dma_semaphore, #tpu.memory_space<semaphore_mem>>) src(%arg15 : memref<8x512xf32, #tpu.memory_space<vmem>>) dst(%dma_wait3A_57 : memref<8x512xf32, #tpu.memory_space<hbm>>)
    %dma_wait3A_58 = arith.constant 0 : i32
    %dma_wait3A_59 = tpu.memref_slice %arg4[%mul3A_2, %dma_wait3A_58] : memref<32768x512xf32, #tpu.memory_space<hbm>> -> memref<8x512xf32, #tpu.memory_space<hbm>>
    %dma_wait3A_60 = arith.constant 0 : i32
    %dma_wait3A_61 = tpu.memref_slice %arg4[%mul3A_2, %dma_wait3A_60] : memref<32768x512xf32, #tpu.memory_space<hbm>> -> memref<8x512xf32, #tpu.memory_space<hbm>>
    tpu.wait_dma2 semaphore(%arg32 : memref<!tpu.dma_semaphore, #tpu.memory_space<semaphore_mem>>) src(%arg16 : memref<8x512xf32, #tpu.memory_space<vmem>>) dst(%dma_wait3A_61 : memref<8x512xf32, #tpu.memory_space<hbm>>)
    %dma_wait3A_62 = arith.constant 0 : i32
    %dma_wait3A_63 = tpu.memref_slice %arg4[%mul3A_2, %dma_wait3A_62] : memref<32768x512xf32, #tpu.memory_space<hbm>> -> memref<8x512xf32, #tpu.memory_space<hbm>>
    %dma_wait3A_64 = arith.constant 0 : i32
    %dma_wait3A_65 = tpu.memref_slice %arg4[%mul3A_2, %dma_wait3A_64] : memref<32768x512xf32, #tpu.memory_space<hbm>> -> memref<8x512xf32, #tpu.memory_space<hbm>>
    tpu.wait_dma2 semaphore(%arg33 : memref<!tpu.dma_semaphore, #tpu.memory_space<semaphore_mem>>) src(%arg17 : memref<8x512xf32, #tpu.memory_space<vmem>>) dst(%dma_wait3A_65 : memref<8x512xf32, #tpu.memory_space<hbm>>)
    %dma_wait3A_66 = arith.constant 0 : i32
    %dma_wait3A_67 = tpu.memref_slice %arg4[%mul3A_2, %dma_wait3A_66] : memref<32768x512xf32, #tpu.memory_space<hbm>> -> memref<8x512xf32, #tpu.memory_space<hbm>>
    %dma_wait3A_68 = arith.constant 0 : i32
    %dma_wait3A_69 = tpu.memref_slice %arg4[%mul3A_2, %dma_wait3A_68] : memref<32768x512xf32, #tpu.memory_space<hbm>> -> memref<8x512xf32, #tpu.memory_space<hbm>>
    tpu.wait_dma2 semaphore(%arg34 : memref<!tpu.dma_semaphore, #tpu.memory_space<semaphore_mem>>) src(%arg18 : memref<8x512xf32, #tpu.memory_space<vmem>>) dst(%dma_wait3A_69 : memref<8x512xf32, #tpu.memory_space<hbm>>)
    %dma_wait3A_70 = arith.constant 0 : i32
    %dma_wait3A_71 = tpu.memref_slice %arg4[%mul3A_2, %dma_wait3A_70] : memref<32768x512xf32, #tpu.memory_space<hbm>> -> memref<8x512xf32, #tpu.memory_space<hbm>>
    %dma_wait3A_72 = arith.constant 0 : i32
    %dma_wait3A_73 = tpu.memref_slice %arg4[%mul3A_2, %dma_wait3A_72] : memref<32768x512xf32, #tpu.memory_space<hbm>> -> memref<8x512xf32, #tpu.memory_space<hbm>>
    tpu.wait_dma2 semaphore(%arg35 : memref<!tpu.dma_semaphore, #tpu.memory_space<semaphore_mem>>) src(%arg19 : memref<8x512xf32, #tpu.memory_space<vmem>>) dst(%dma_wait3A_73 : memref<8x512xf32, #tpu.memory_space<hbm>>)
    %dma_wait3A_74 = arith.constant 0 : i32
    %dma_wait3A_75 = tpu.memref_slice %arg4[%mul3A_2, %dma_wait3A_74] : memref<32768x512xf32, #tpu.memory_space<hbm>> -> memref<8x512xf32, #tpu.memory_space<hbm>>
    %dma_wait3A_76 = arith.constant 0 : i32
    %dma_wait3A_77 = tpu.memref_slice %arg4[%mul3A_2, %dma_wait3A_76] : memref<32768x512xf32, #tpu.memory_space<hbm>> -> memref<8x512xf32, #tpu.memory_space<hbm>>
    tpu.wait_dma2 semaphore(%arg36 : memref<!tpu.dma_semaphore, #tpu.memory_space<semaphore_mem>>) src(%arg20 : memref<8x512xf32, #tpu.memory_space<vmem>>) dst(%dma_wait3A_77 : memref<8x512xf32, #tpu.memory_space<hbm>>)
    return
  }
}

</mosaic_0001>

<sc_bundles>
// kernel: kernel.3.cloned.1.call-start
scs
__scs_entry_jumppad:
0x0: {  	(pc) =	sbr.rel $0x88, $3  }
0x1: {  	(tag) =	ssettag $0x0;
	lr =	simm.s32 $0x1  }
0x2: {  	[smem:$0x3F9F] =	sst lr;
	_ =	strace $0xD0000000  }
0x3: {  	_ = 	snop  }
0x4: {  	_ = 	snop  }
0x5: {  	_ = 	snop  }
0x6: {  	_ = 	snop  }
0x7: {  	_ = 	snop  }
__scs_overlays_trampoline_lowered:
0x8: {  	[smem:$0x3FAE] =	sst s0  }
0x9: {  	[smem:$0x3FAF] =	sst s1  }
0xa: {  	[smem:$0x3FB0] =	sst s2  }
0xb: {  	[smem:$0x3FB1] =	sst s3  }
0xc: {  	[smem:$0x3FB2] =	sst s4  }
0xd: {  	[smem:$0x3FB3] =	sst s5  }
0xe: {  	[smem:$0x3FB4] =	sst s6  }
0xf: {  	[smem:$0x3FB5] =	sst s7  }
0x10: {  	[smem:$0x3FB6] =	sst s8  }
0x11: {  	[smem:$0x3FB7] =	sst s9;
	s0 =	simm.s32 @!p0 $0x0  }
0x12: {  	s1 =	sld [smem:$0x3F9D];
	s0 =	simm.s32 @p0 $0x1  }
0x13: {  	[smem:$0x3FB8] =	sst s0;
	s0 =	simm.s32 @!p1 $0x0  }
0x14: {  	s2 =	sld [smem:$0x3F9C];
	s0 =	simm.s32 @p1 $0x1  }
0x15: {  	[smem:$0x3FB9] =	sst s0;
	s0 =	simm.s32 @!p2 $0x0  }
0x16: {  	s3 =	sld [smem:$0x3FDB];
	s0 =	simm.s32 @p2 $0x1  }
0x17: {  	s4 =	simm.s32 $0x1BF5;
	[smem:$0x3FBB] =	sst s0  }
0x18: {  	s0 =	sld [smem:$0x3F9E];
	_ =	swait.ge [sflag:s4], $0x0  }
0x19: {  	s7 =	sld [smem:$0x3F9F]  }
0x1a: {  	s8 =	sadd.s32 $0xFFFFE003, lr  }
0x1b: {  	s9 =	sadd.s32 $0xFFFFFEF7, lr;
	s5 =	simm.s32 $0xFFFFFFFF;
	p2 =	slt.u32 s8, $0xFFFFF086  }
0x1c: {  	p1 =	slt.u32 s9, $0xF7A;
	s5 =	simm.s32 @!p2 $0x0  }
0x1d: {  	s5 =	simm.s32 @p1 $0x1;
	p0 =	seq.s32 s7, s2  }
0x1e: {  	s7 =	smul.u32 @!p0 $0xF7A, s2;
	p2 =	seq.s32 @!p0 s5, $0x0  }
0x1f: {  	s9 =	smul.u32 $0xF7A, s1;
	s8 =	simm.s32 @!p0 $0x1BF5;
	p2 =	por !p2, p0  }
0x20: {  	[sflag:s8] =	ssyncset.s32 @!p0 $0xFFFFF086;
	s6 =	sadd.s32 @!p0 s3, s7;
	s7 =	simm.s32 @!p0 $0x108  }
0x21: {  	s3 =	sadd.s32 s3, s9;
	s6 =	sadd.s32 @!p0 $0x88, s6;
	s7 =	simm.s32 @p2 $0x1082  }
0x22: {  	[simem:s7], [sflag:s8] =	dma.local @!p0 [hbm:s6], $0xF7A  }
0x23: {  	s9 =	sor.u32 $0xD0000000, s2;
	s6 =	simm.s32 $0x108;
	_ =	swait.ge @!p0 [sflag:s8], $0x0  }
0x24: {  	s3 =	sadd.s32 $0x88, s3;
	s6 =	simm.s32 @!p1 $0x1082;
	[sflag:s4] =	ssyncset.s32 $0xFFFFF086  }
0x25: {  	[simem:s6], [sflag:s4] =	dma.local [hbm:s3], $0xF7A  }
0x26: {  	[smem:$0x3F9F] =	sst s1;
	(tag) =	ssettag s2;
	_ =	strace s9  }
0x27: {  	s1 =	sld [smem:$0x3FAF]  }
0x28: {  	s2 =	sld [smem:$0x3FB0]  }
0x29: {  	s4 =	sld [smem:$0x3FB2]  }
0x2a: {  	p0 =	seq.s32 s5, $0x0;
	s5 =	sld [smem:$0x3FB3]  }
0x2b: {  	s6 =	sld [smem:$0x3FB4]  }
0x2c: {  	s7 =	sld [smem:$0x3FB5]  }
0x2d: {  	s3 =	simm.s32 $0x108;
	s8 =	sld [smem:$0x3FB6]  }
0x2e: {  	s3 =	simm.s32 @!p0 $0x1082;
	s9 =	sld [smem:$0x3FB7]  }
0x2f: {  	lr =	sadd.s32 s0, s3;
	s0 =	sld [smem:$0x3FAE]  }
0x30: {  	s3 =	sld [smem:$0x3FB1]  }
0x31: {  	[smem:$0x3FBA] =	sst s10  }
0x32: {  	s10 =	sld [smem:$0x3FB8];
	_ =	sdelay $0x3  }
0x33: {  	p0 =	seq.s32 s10, $0x1;
	s10 =	sld [smem:$0x3FBA];
	_ =	sdelay $0x3  }
0x34: {  	[smem:$0x3FBA] =	sst s10  }
0x35: {  	s10 =	sld [smem:$0x3FB9];
	_ =	sdelay $0x3  }
0x36: {  	p1 =	seq.s32 s10, $0x1;
	s10 =	sld [smem:$0x3FBA];
	_ =	sdelay $0x3  }
0x37: {  	[smem:$0x3FBA] =	sst s10  }
0x38: {  	s10 =	sld [smem:$0x3FBB]  }
0x39: {  	_ = 	snop;
	(pc) =	sbr.ind lr, $3  }
0x3a: {  	_ = 	snop  }
0x3b: {  	_ = 	snop  }
0x3c: {  	p2 =	seq.s32 s10, $0x1;
	s10 =	sld [smem:$0x3FBA]  }
0x3d: {  	_ =	shalt  }
0x3e: {  	_ =	shalt  }
0x3f: {  	_ =	shalt  }
0x40: {  	_ =	shalt  }
0x41: {  	_ =	shalt  }
0x42: {  	_ =	shalt  }
0x43: {  	_ =	shalt  }
0x44: {  	_ =	shalt  }
0x45: {  	_ =	shalt  }
0x46: {  	_ =	shalt  }
0x47: {  	_ =	shalt  }
0x48: {  	_ =	shalt  }
0x49: {  	_ =	shalt  }
0x4a: {  	_ =	shalt  }
0x4b: {  	_ =	shalt  }
0x4c: {  	_ =	shalt  }
0x4d: {  	_ =	shalt  }
0x4e: {  	_ =	shalt  }
0x4f: {  	_ =	shalt  }
0x50: {  	_ =	shalt  }
0x51: {  	_ =	shalt  }
0x52: {  	_ =	shalt  }
0x53: {  	_ =	shalt  }
0x54: {  	_ =	shalt  }
0x55: {  	_ =	shalt  }
0x56: {  	_ =	shalt  }
0x57: {  	_ =	shalt  }
0x58: {  	_ =	shalt  }
0x59: {  	_ =	shalt  }
0x5a: {  	_ =	shalt  }
0x5b: {  	_ =	shalt  }
0x5c: {  	_ =	shalt  }
0x5d: {  	_ =	shalt  }
0x5e: {  	_ =	shalt  }
0x5f: {  	_ =	shalt  }
0x60: {  	_ =	shalt  }
0x61: {  	_ =	shalt  }
0x62: {  	_ =	shalt  }
0x63: {  	_ =	shalt  }
0x64: {  	_ =	shalt  }
0x65: {  	_ =	shalt  }
0x66: {  	_ =	shalt  }
0x67: {  	_ =	shalt  }
0x68: {  	_ =	shalt  }
0x69: {  	_ =	shalt  }
0x6a: {  	_ =	shalt  }
0x6b: {  	_ =	shalt  }
0x6c: {  	_ =	shalt  }
0x6d: {  	_ =	shalt  }
0x6e: {  	_ =	shalt  }
0x6f: {  	_ =	shalt  }
0x70: {  	_ =	shalt  }
0x71: {  	_ =	shalt  }
0x72: {  	_ =	shalt  }
0x73: {  	_ =	shalt  }
0x74: {  	_ =	shalt  }
0x75: {  	_ =	shalt  }
0x76: {  	_ =	shalt  }
0x77: {  	_ =	shalt  }
0x78: {  	_ =	shalt  }
0x79: {  	_ =	shalt  }
0x7a: {  	_ =	shalt  }
0x7b: {  	_ =	shalt  }
0x7c: {  	_ =	shalt  }
0x7d: {  	_ =	shalt  }
0x7e: {  	_ =	shalt  }
0x7f: {  	_ =	shalt  }
0x80: {  	_ =	shalt  }
0x81: {  	_ =	shalt  }
0x82: {  	_ =	shalt  }
0x83: {  	_ =	shalt  }
0x84: {  	_ =	shalt  }
0x85: {  	_ =	shalt  }
0x86: {  	_ =	shalt  }
0x87: {  	_ =	shalt  }
.Lfunc_end0:
.L_simem_size_0:
called_computation_lowered:
.L_overlay_start_0:
0x88: {  	s2 =	sld [smem:$0x3FD9]  }
0x89: {  	s3 =	sld [smem:$0x3FFE];
	_ =	sdelay $0x1  }
0x8a: {  	s1 =	srdreg.scid  }
0x8b: {  	s0 =	sand.u32 $0x1, s1  }
0x8c: {  	s18 =	sshll.u32 s0, $0xA;
	s2 =	sadd.s32 s3, s2  }
0x8d: {  	s2 =	sadd.s32 s2, s18  }
0x8e: {  	[smem:$0x3FC6] =	sst s2  }
0x8f: {  	_ = 	snop  }
0x90: {  	s2 =	sld [smem:$0x3FC9]  }
0x91: {  	s19 =	sld [smem:$0x3FC8]  }
0x92: {  	s4 =	sld [smem:$0x3FD0];
	(tm) =	ssettm $0x1  }
0x93: {  	s5 =	sld [smem:$0x3FFB];
	_ =	sdelay $0x3  }
0x94: {  	_ =	strace s5  }
0x95: {  	s5 =	sld [smem:$0x3FFC];
	_ =	sdelay $0x3  }
0x96: {  	_ =	strace s5  }
0x97: {  	s5 =	sld [smem:$0x3FFD];
	_ =	sdelay $0x3  }
0x98: {  	_ =	strace s5  }
0x99: {  	_ =	strace $0x8FFFFFFF  }
0x9a: {  	s20 =	sld [smem:$0x3FDB];
	_ =	sdelay $0x1  }
0x9b: {  	s6 =	simm.s32 $_scs_section_size  }
0x9c: {  	s7 =	simm.s32 $_size__tile_overlayer_lowered;
	s8 =	simm.s32 $_tile_overlayer_lowered  }
0x9d: {  	s23 =	simm.s32 $0x1BFF;
	s22 =	sshll.u32 s8, $0x1;
	s5 =	sadd.s32 s6, s20  }
0x9e: {  	s9 =	simm.s32 $0x0;
	s21 =	sshll.u32 s7, $0x1;
	s7 =	sadd.s32 s22, s5  }
0x9f: {  	[timem:s9], [sflag:s23] =	dma.local [hbm:s7], s21  }
0xa0: {  	_ =	swait.ge [sflag:s23], s21  }
0xa1: {  	s6 =	ssub.s32 $0x0, s21;
	[sflag:s23] =	ssyncset.done $0x0  }
0xa2: {  	[sflag:s23] =	ssyncadd.s32 s6;
	_ =	sdelay $0x1  }
0xa3: {  	s24 =	simm.s32 $0x1B8B  }
0xa4: {  	_ =	swait.ge [sflag:s24], $0x1  }
0xa5: {  	[sflag:s24] =	ssyncset.done $0x0  }
0xa6: {  	s25 =	simm.s32 $0x1B8E;
	[sflag:s24] =	ssyncadd.s32 $0xFFFFFFFF  }
0xa7: {  	s26 =	simm.s32 $execute0_lowered;
	[smem:$0x3FD2] =	sst s25  }
0xa8: {  	s6 =	sshll.u32 s26, $0x1;
	_ =	strace $0x80000046;
	[dreg:$0x1] =	wrdreg $0xFFFFFFFF  }
0xa9: {  	s28 =	simm.s32 $_size_execute0_lowered;
	s5 =	sadd.s32 s5, s6;
	[dreg:$0x0] =	wrdreg $0x0  }
0xaa: {  	s6 =	sshll.u32 s28, $0x1;
	[dreg:$0x2] =	wrdreg s5  }
0xab: {  	[dreg:$0x3] =	wrdreg s6  }
0xac: {  	[dreg:$0x4] =	wrdreg $0xC0  }
0xad: {  	_ =	task [dreg:s9], $0x5FFFF  }
0xae: {  	[dreg:$0x1] =	wrdreg $0xFFFFFFFF  }
0xaf: {  	[dreg:$0x0] =	wrdreg $0x60  }
0xb0: {  	[dreg:$0x2] =	wrdreg s2  }
0xb1: {  	[dreg:$0x3] =	wrdreg s19  }
0xb2: {  	[dreg:$0x4] =	wrdreg s4  }
0xb3: {  	[dreg:$0x5] =	wrdreg $0x9  }
0xb4: {  	_ =	task.clear_ibuf [dreg:s9], $0x6FFFF;
	_ =	strace $0x90000046  }
0xb5: {  	s29 =	simm.s32 $0x9;
	_ =	strace $0x80000048  }
0xb6: {  	_ =	swait.ge [sflag:s29], $0x1  }
0xb7: {  	[sflag:s29] =	ssyncadd.s32 $0xFFFFFFFF  }
0xb8: {  	_ =	strace $0x90000048  }
0xb9: {  	_ =	sfence  }
0xba: {  	s30 =	sld [smem:$0x0];
	_ =	sdelay $0x2  }
0xbb: {  	s31 =	sshll.u32 s1, $0xD;
	s1 =	sshrl.u32 s1, $0x2  }
0xbc: {  	s3 =	sand.u32 $0x4000, s31;
	s1 =	sadd.s32 s1, s30  }
0xbd: {  	s0 =	sor.u32 s3, s0;
	s1 =	sshll.u32 s1, $0x11  }
0xbe: {  	s0 =	sor.u32 s1, s0  }
0xbf: {  	s0 =	sadd.s32 $0x8F2B, s0  }
0xc0: {  	[sflag:s0] =	ssyncadd.remote.s32 $0x1  }
0xc1: {  	_ =	sfence.sel $0xFFFF  }
0xc2: {  	[dreg:$0x0] =	wrdreg $0xFFFFFFFF;
	(pc) =	sbr.abs _section_cstart, $3  }
0xc3: {  	[dreg:$0x1] =	wrdreg $0xFFFFFFFF  }
0xc4: {  	_ =	task.clear_ibuf [dreg:s9], $0x2FFFF;
	_ =	strace $0x9FFFFFFF  }
0xc5: {  	(tm) =	ssettm $0x7FFFFFFF  }
tec
execute0_lowered:
.L_overlay_start_1:
0x0: {  	(tag) =	ssettag $0x1  }
0x1: {  	s1 =	rddreg [dreg:$0x0]  }
0x2: {  	s3 =	rddreg [dreg:$0x1]  }
0x3: {  	s4 =	rddreg [dreg:$0x2]  }
0x4: {  	s0 =	srdreg.scid;
	s2 =	stileid.u32  }
0x5: {  	s5 =	simm.s32 $0x0;
	s31 =	simm.s32 $0xC000;
	s0 =	sand.u32 $0x1, s0  }
0x6: {  	s10 =	simm.s32 $0xF000;
	s2 =	sshll.u32 s2, $0xB;
	s6 =	sshll.u32 s0, $0xA  }
0x7: {  	s11 =	simm.s32 $0x4;
	s12 =	simm.s32 $0x5;
	s8 =	sor.u32 s6, s2  }
0x8: {  	s13 =	simm.s32 $0x6;
	[smem:$0x7FF] =	sst s5;
	s6 =	sshll.u32 s8, $0x6  }
0x9: {  	_ =	strace $0x80000047;
	[dreg:$0x4] =	wrdreg s8;
	s18 =	sadd.s32 s1, s6  }
0xa: {  	s15 =	simm.s32 $0x7;
	s7 =	sadd.s32 s3, s6;
	[dreg:$0x5] =	wrdreg s18  }
0xb: {  	s14 =	sshrl.u32 s8, $0x3;
	s25 =	sadd.s32 s4, s6;
	[dreg:$0x6] =	wrdreg s7  }
0xc: {  	s9 =	simm.s32 $0x0;
	s26 =	sor.u32 $0x8, s14;
	[dreg:$0xd] =	wrdreg s25  }
0xd: {  	s0 =	ssub.s32 $0x2, s0;
	s28 =	sor.u32 $0x9, s14;
	[dreg:$0xe] =	wrdreg s26  }
0xe: {  	s17 =	sshrl.u32 s0, $0x1;
	s29 =	sor.u32 $0xA, s14;
	[dreg:$0xf] =	wrdreg s28  }
0xf: {  	s0 =	ssub.s32 s0, s17;
	s30 =	sor.u32 $0xB, s14;
	[dreg:$0x10] =	wrdreg s29  }
0x10: {  	s19 =	sor.u32 $0x200, s6;
	s0 =	smax.u32 s0, $0x1;
	[dreg:$0x11] =	wrdreg s30  }
0x11: {  	s8 =	simm.s32 $0x3;
	s20 =	sadd.s32 s1, s19;
	[dreg:$0x12] =	wrdreg s0  }
0x12: {  	s21 =	sor.u32 $0x400, s6;
	s2 =	sadd.s32 s3, s19;
	[dreg:$0x7] =	wrdreg s20  }
0x13: {  	s23 =	sor.u32 $0x600, s6;
	s22 =	sadd.s32 s1, s21;
	[dreg:$0x8] =	wrdreg s2  }
0x14: {  	s7 =	sadd.s32 s3, s21;
	s24 =	sadd.s32 s1, s23;
	[dreg:$0x9] =	wrdreg s22  }
0x15: {  	s0 =	simm.s32 $0x1;
	s25 =	simm.s32 $0x2;
	[dreg:$0xa] =	wrdreg s7  }
0x16: {  	s21 =	simm.s32 $0x8;
	[dreg:$0xb] =	wrdreg s24;
	s2 =	sadd.s32 s3, s23  }
0x17: {  	s23 =	simm.s32 $0xD000;
	s7 =	simm.s32 $0xE000;
	[dreg:$0xc] =	wrdreg s2  }
.LBB2_1:
0x18: {  	[dreg:$0x13] =	wrdreg s9  }
0x19: {  	s2 =	rddreg [dreg:$0x5]  }
0x1a: {  	[tilespmem:s5], [sflag:$0x1] =	stream.linear.gather [hbm4b:s2+s5], $0x1000, $0x38;
	[tilespmem:$0x10000] =	vst v63  }
0x1b: {  	s29 =	rddreg [dreg:$0x6];
	s6 =	simm.s32 $0x8000  }
0x1c: {  	[tilespmem:s6], [sflag:$0x1] =	stream.linear.gather [hbm4b:s29+s5], $0x1000, $0x38;
	[tilespmem:$0x10000] =	vst v63  }
0x1d: {  	s9 =	simm.s32 $0x1000;
	s6 =	rddreg [dreg:$0x7]  }
0x1e: {  	[tilespmem:s9], [sflag:$0x2] =	stream.linear.gather [hbm4b:s6+s5], $0x1000, $0x38;
	[tilespmem:$0x10000] =	vst v63  }
0x1f: {  	s16 =	rddreg [dreg:$0x8];
	s17 =	simm.s32 $0x9000  }
0x20: {  	[tilespmem:s17], [sflag:$0x2] =	stream.linear.gather [hbm4b:s16+s5], $0x1000, $0x38;
	[tilespmem:$0x10000] =	vst v63  }
0x21: {  	s18 =	rddreg [dreg:$0x9];
	s19 =	simm.s32 $0x2000  }
0x22: {  	[tilespmem:s19], [sflag:$0x3] =	stream.linear.gather [hbm4b:s18+s5], $0x1000, $0x38;
	[tilespmem:$0x10000] =	vst v63  }
0x23: {  	s20 =	rddreg [dreg:$0xa];
	s22 =	simm.s32 $0xA000  }
0x24: {  	[tilespmem:s22], [sflag:$0x3] =	stream.linear.gather [hbm4b:s20+s5], $0x1000, $0x38;
	[tilespmem:$0x10000] =	vst v63  }
0x25: {  	s24 =	rddreg [dreg:$0xb];
	s26 =	simm.s32 $0x3000  }
0x26: {  	[tilespmem:s26], [sflag:$0x4] =	stream.linear.gather [hbm4b:s24+s5], $0x1000, $0x38;
	[tilespmem:$0x10000] =	vst v63  }
0x27: {  	s28 =	rddreg [dreg:$0xc];
	s30 =	simm.s32 $0x0;
	s29 =	simm.s32 $0xB000  }
0x28: {  	[tilespmem:s29], [sflag:$0x4] =	stream.linear.gather [hbm4b:s28+s5], $0x1000, $0x38;
	[tilespmem:$0x10000] =	vst v63  }
.LBB2_2:
0x29: {  	s2 =	sshll.u32 s30, $0x3;
	p0 =	seq.s32 s30, $0x0  }
0x2a: {  	s6 =	sor.u32 $0x4, s2;
	s16 =	simm.s32 @!p0 $0xD  }
0x2b: {  	_ =	swait.ge @!p0 [sflag:s16], $0x1000;
	s6 =	sadd.s32 s14, s6  }
0x2c: {  	s22 =	simm.s32 $0x0;
	[sflag:s16] =	ssyncset.done @!p0 $0x0;
	s9 =	sshll.u32 s6, $0x9  }
0x2d: {  	s28 =	simm.s32 $0x4000;
	[sflag:s16] =	ssyncadd.s32 @!p0 $0xFFFFF000;
	s6 =	sadd.s32 s1, s9  }
0x2e: {  	[tilespmem:s28], [sflag:$0x5] =	stream.linear.gather [hbm4b:s6+s22], $0x1000, $0x38;
	[tilespmem:$0x10000] =	vst v63  }
0x2f: {  	s29 =	sadd.s32 s3, s9  }
0x30: {  	[tilespmem:s31], [sflag:$0x5] =	stream.linear.gather [hbm4b:s29+s22], $0x1000, $0x38;
	[tilespmem:$0x10000] =	vst v63  }
0x31: {  	_ =	swait.ge [sflag:s0], $0x1000  }
0x32: {  	[sflag:s0] =	ssyncset.done $0x0  }
0x33: {  	[sflag:s0] =	ssyncadd.s32 $0xFFFFF000  }
0x34: {  	_ =	swait.ge [sflag:s0], $0x1000  }
0x35: {  	[sflag:s0] =	ssyncset.done $0x0  }
0x36: {  	s24 =	simm.s32 $0x8040;
	s6 =	simm.s32 $0x40;
	[sflag:s0] =	ssyncadd.s32 $0xFFFFF000  }
.LBB2_3:
0x37: {  	v5 =	vld [tilespmem:s6+$0x30]  }
0x38: {  	v9 =	vld [tilespmem:s6+$0xFFFFFFD0]  }
0x39: {  	v6 =	vld [tilespmem:s24+$0x30]  }
0x3a: {  	v3 =	vld [tilespmem:s6+$0xFFFFFFE0]  }
0x3b: {  	v1 =	vld [tilespmem:s6+$0xFFFFFFF0]  }
0x3c: {  	v0 =	vld [tilespmem:s6+$0x0]  }
0x3d: {  	v2 =	vld [tilespmem:s6+$0x10];
	vm0 =	vgt.f32 v5, $8.999999760e-01  }
0x3e: {  	v4 =	vld [tilespmem:s6+$0x20];
	vm1 =	vlt.f32 v5, $1.000000010e-01;
	vm2 =	vgt.f32 v9, $8.999999760e-01;
	vm3 =	vlt.f32 v9, $1.000000010e-01  }
0x3f: {  	v10 =	vld [tilespmem:s6+$0xFFFFFFC0];
	vm0 =	vmor vm0, vm1;
	vm5 =	vmor vm2, vm3  }
0x40: {  	v12 =	vld [tilespmem:s24+$0xFFFFFFC0];
	vm1 =	vlt.f32 v3, $1.000000010e-01;
	v11 =	vsel vm0, v5, v6;
	vm0 =	vgt.f32 v3, $8.999999760e-01  }
0x41: {  	v13 =	vld [tilespmem:s24+$0xFFFFFFD0];
	vm2 =	vlt.f32 v1, $1.000000010e-01;
	vm0 =	vmor vm0, vm1;
	vm1 =	vgt.f32 v1, $8.999999760e-01  }
0x42: {  	vm3 =	vlt.f32 v0, $1.000000010e-01;
	v5 =	vld [tilespmem:s24+$0xFFFFFFE0];
	vm1 =	vmor vm1, vm2;
	vm2 =	vgt.f32 v0, $8.999999760e-01  }
0x43: {  	vm4 =	vlt.f32 v2, $1.000000010e-01;
	v6 =	vld [tilespmem:s24+$0xFFFFFFF0];
	vm2 =	vmor vm2, vm3;
	vm3 =	vgt.f32 v2, $8.999999760e-01  }
0x44: {  	v7 =	vld [tilespmem:s24+$0x0];
	vm6 =	vlt.f32 v10, $1.000000010e-01;
	vm3 =	vmor vm3, vm4;
	vm4 =	vgt.f32 v10, $8.999999760e-01  }
0x45: {  	v8 =	vld [tilespmem:s24+$0x10];
	s17 =	simm.s32 $0x0;
	vm7 =	vgt.f32 v4, $8.999999760e-01;
	vm8 =	vlt.f32 v4, $1.000000010e-01;
	vm6 =	vmor vm4, vm6  }
0x46: {  	s19 =	sadd.s32 $0x400, s6;
	s18 =	smov.u32 s24;
	s16 =	smov.u32 s24;
	[tilespmem:s24+$0x30] =	vst v11;
	vm4 =	vmor vm7, vm8;
	v11 =	vsel vm6, v10, v12;
	v10 =	vsel vm5, v9, v13;
	v9 =	vld [tilespmem:s24+$0x20]  }
.LBB2_4:
0x47: {  	v12 =	vld [tilespmem:s19+$0x30];
	s17 =	sadd.s32 $0x80, s17;
	[tilespmem:s18+$0xFFFFFFC0] =	vst v11;
	v3 =	vsel vm0, v3, v5  }
0x48: {  	s18 =	sadd.s32 $0x400, s18;
	v13 =	vld [tilespmem:s19+$0xFFFFFFD0];
	p1 =	slt.u32 s17, $0x180;
	[tilespmem:s16+$0xFFFFFFD0] =	vst v10;
	v1 =	vsel vm1, v1, v6  }
0x49: {  	v5 =	vld [tilespmem:s18+$0x30];
	[tilespmem:s16+$0xFFFFFFE0] =	vst v3;
	v0 =	vsel vm2, v0, v7  }
0x4a: {  	v3 =	vld [tilespmem:s19+$0xFFFFFFE0];
	[tilespmem:s16+$0xFFFFFFF0] =	vst v1;
	v2 =	vsel vm3, v2, v8  }
0x4b: {  	v1 =	vld [tilespmem:s19+$0xFFFFFFF0];
	[tilespmem:s16+$0x0] =	vst v0;
	v4 =	vsel vm4, v4, v9  }
0x4c: {  	v0 =	vld [tilespmem:s19+$0x0];
	vm0 =	vgt.f32 v12, $8.999999760e-01;
	vm1 =	vlt.f32 v12, $1.000000010e-01;
	[tilespmem:s16+$0x10] =	vst v2  }
0x4d: {  	vm2 =	vgt.f32 v13, $8.999999760e-01;
	vm3 =	vlt.f32 v13, $1.000000010e-01;
	v2 =	vld [tilespmem:s19+$0x10];
	vm0 =	vmor vm0, vm1;
	[tilespmem:s16+$0x20] =	vst v4;
	s16 =	smov.u32 s18  }
0x4e: {  	vm5 =	vmor vm2, vm3;
	v4 =	vld [tilespmem:s19+$0x20];
	v5 =	vsel vm0, v12, v5  }
0x4f: {  	v9 =	vld [tilespmem:s19+$0xFFFFFFC0];
	vm0 =	vgt.f32 v3, $8.999999760e-01;
	vm1 =	vlt.f32 v3, $1.000000010e-01;
	[tilespmem:s18+$0x30] =	vst v5  }
0x50: {  	v10 =	vld [tilespmem:s18+$0xFFFFFFC0];
	vm0 =	vmor vm0, vm1;
	vm1 =	vgt.f32 v1, $8.999999760e-01;
	vm2 =	vlt.f32 v1, $1.000000010e-01  }
0x51: {  	v12 =	vld [tilespmem:s18+$0xFFFFFFD0];
	vm1 =	vmor vm1, vm2;
	vm2 =	vgt.f32 v0, $8.999999760e-01;
	vm3 =	vlt.f32 v0, $1.000000010e-01  }
.Ltmp0:
0x52: {  	v5 =	vld [tilespmem:s18+$0xFFFFFFE0];
	vm2 =	vmor vm2, vm3;
	vm3 =	vgt.f32 v2, $8.999999760e-01;
	vm4 =	vlt.f32 v2, $1.000000010e-01;
	(pc) =	sbr.rel @p1 .LBB2_4-.Ltmp0, $4  }
0x53: {  	v6 =	vld [tilespmem:s18+$0xFFFFFFF0];
	vm3 =	vmor vm3, vm4;
	vm4 =	vgt.f32 v4, $8.999999760e-01;
	vm6 =	vlt.f32 v4, $1.000000010e-01  }
0x54: {  	vm7 =	vgt.f32 v9, $8.999999760e-01;
	vm8 =	vlt.f32 v9, $1.000000010e-01;
	v7 =	vld [tilespmem:s18+$0x0];
	vm4 =	vmor vm4, vm6  }
0x55: {  	vm6 =	vmor vm7, vm8;
	v8 =	vld [tilespmem:s18+$0x10]  }
0x56: {  	s19 =	sadd.s32 $0x400, s19;
	v11 =	vsel vm6, v9, v10;
	v10 =	vsel vm5, v13, v12;
	v9 =	vld [tilespmem:s18+$0x20]  }
0x57: {  	[tilespmem:s18+$0xFFFFFFC0] =	vst v11;
	s22 =	sadd.s32 $0x1, s22  }
0x58: {  	v3 =	vsel vm0, v3, v5;
	[tilespmem:s16+$0xFFFFFFD0] =	vst v10;
	p1 =	sne.s32 s22, $0x8  }
.Ltmp1:
0x59: {  	v1 =	vsel vm1, v1, v6;
	[tilespmem:s16+$0xFFFFFFE0] =	vst v3;
	(pc) =	sbr.rel @p1 .LBB2_3-.Ltmp1, $4  }
0x5a: {  	v0 =	vsel vm2, v0, v7;
	[tilespmem:s16+$0xFFFFFFF0] =	vst v1  }
0x5b: {  	v62 =	vsel vm3, v2, v8;
	[tilespmem:s16+$0x0] =	vst v0  }
0x5c: {  	v63 =	vsel vm4, v4, v9;
	[tilespmem:s16+$0x10] =	vst v62  }
0x5d: {  	s24 =	sadd.s32 $0x80, s24;
	s6 =	sadd.s32 $0x80, s6;
	[tilespmem:s16+$0x20] =	vst v63  }
0x5e: {  	s6 =	sshll.u32 s30, $0xC;
	s16 =	rddreg [dreg:$0xd];
	s22 =	simm.s32 $0x8000  }
0x5f: {  	s24 =	sor.u32 $0x5, s2;
	s6 =	sadd.s32 s6, s16;
	s16 =	simm.s32 @!p0 $0xE  }
0x60: {  	[hbm4b:s6+s5] =	stream.linear.scatter [tilespmem:s22], [sflag:$0x9], $0x1000, $0x38;
	[tilespmem:$0x10000] =	vst v63  }
0x61: {  	s6 =	sadd.s32 s14, s24;
	_ =	swait.ge @!p0 [sflag:s16], $0x1000  }
0x62: {  	s26 =	simm.s32 $0x5000;
	s28 =	sshll.u32 s6, $0x9;
	[sflag:s16] =	ssyncset.done @!p0 $0x0  }
0x63: {  	s22 =	simm.s32 $0x0;
	s6 =	sadd.s32 s1, s28;
	[sflag:s16] =	ssyncadd.s32 @!p0 $0xFFFFF000  }
0x64: {  	[tilespmem:s26], [sflag:$0x6] =	stream.linear.gather [hbm4b:s6+s22], $0x1000, $0x38;
	[tilespmem:$0x10000] =	vst v63  }
0x65: {  	s29 =	sadd.s32 s3, s28  }
0x66: {  	[tilespmem:s23], [sflag:$0x6] =	stream.linear.gather [hbm4b:s29+s22], $0x1000, $0x38;
	[tilespmem:$0x10000] =	vst v63  }
0x67: {  	_ =	swait.ge [sflag:s25], $0x1000  }
0x68: {  	[sflag:s25] =	ssyncset.done $0x0  }
0x69: {  	[sflag:s25] =	ssyncadd.s32 $0xFFFFF000  }
0x6a: {  	_ =	swait.ge [sflag:s25], $0x1000  }
0x6b: {  	[sflag:s25] =	ssyncset.done $0x0  }
0x6c: {  	s24 =	simm.s32 $0x9040;
	s6 =	simm.s32 $0x1040;
	[sflag:s25] =	ssyncadd.s32 $0xFFFFF000  }
.LBB2_7:
0x6d: {  	v5 =	vld [tilespmem:s6+$0x30]  }
0x6e: {  	v9 =	vld [tilespmem:s6+$0xFFFFFFD0]  }
0x6f: {  	v6 =	vld [tilespmem:s24+$0x30]  }
0x70: {  	v3 =	vld [tilespmem:s6+$0xFFFFFFE0]  }
0x71: {  	v1 =	vld [tilespmem:s6+$0xFFFFFFF0]  }
0x72: {  	v0 =	vld [tilespmem:s6+$0x0]  }
0x73: {  	v2 =	vld [tilespmem:s6+$0x10];
	vm0 =	vgt.f32 v5, $8.999999760e-01  }
0x74: {  	v4 =	vld [tilespmem:s6+$0x20];
	vm1 =	vlt.f32 v5, $1.000000010e-01;
	vm2 =	vgt.f32 v9, $8.999999760e-01;
	vm3 =	vlt.f32 v9, $1.000000010e-01  }
0x75: {  	v10 =	vld [tilespmem:s6+$0xFFFFFFC0];
	vm0 =	vmor vm0, vm1;
	vm5 =	vmor vm2, vm3  }
0x76: {  	v12 =	vld [tilespmem:s24+$0xFFFFFFC0];
	vm1 =	vlt.f32 v3, $1.000000010e-01;
	v11 =	vsel vm0, v5, v6;
	vm0 =	vgt.f32 v3, $8.999999760e-01  }
0x77: {  	v13 =	vld [tilespmem:s24+$0xFFFFFFD0];
	vm2 =	vlt.f32 v1, $1.000000010e-01;
	vm0 =	vmor vm0, vm1;
	vm1 =	vgt.f32 v1, $8.999999760e-01  }
0x78: {  	vm3 =	vlt.f32 v0, $1.000000010e-01;
	v5 =	vld [tilespmem:s24+$0xFFFFFFE0];
	vm1 =	vmor vm1, vm2;
	vm2 =	vgt.f32 v0, $8.999999760e-01  }
0x79: {  	vm4 =	vlt.f32 v2, $1.000000010e-01;
	v6 =	vld [tilespmem:s24+$0xFFFFFFF0];
	vm2 =	vmor vm2, vm3;
	vm3 =	vgt.f32 v2, $8.999999760e-01  }
0x7a: {  	v7 =	vld [tilespmem:s24+$0x0];
	vm6 =	vlt.f32 v10, $1.000000010e-01;
	vm3 =	vmor vm3, vm4;
	vm4 =	vgt.f32 v10, $8.999999760e-01  }
0x7b: {  	v8 =	vld [tilespmem:s24+$0x10];
	s17 =	simm.s32 $0x0;
	vm7 =	vgt.f32 v4, $8.999999760e-01;
	vm8 =	vlt.f32 v4, $1.000000010e-01;
	vm6 =	vmor vm4, vm6  }
0x7c: {  	s19 =	sadd.s32 $0x400, s6;
	s18 =	smov.u32 s24;
	s16 =	smov.u32 s24;
	[tilespmem:s24+$0x30] =	vst v11;
	vm4 =	vmor vm7, vm8;
	v11 =	vsel vm6, v10, v12;
	v10 =	vsel vm5, v9, v13;
	v9 =	vld [tilespmem:s24+$0x20]  }
.LBB2_8:
0x7d: {  	v12 =	vld [tilespmem:s19+$0x30];
	s17 =	sadd.s32 $0x80, s17;
	[tilespmem:s18+$0xFFFFFFC0] =	vst v11;
	v3 =	vsel vm0, v3, v5  }
0x7e: {  	s18 =	sadd.s32 $0x400, s18;
	v13 =	vld [tilespmem:s19+$0xFFFFFFD0];
	p1 =	slt.u32 s17, $0x180;
	[tilespmem:s16+$0xFFFFFFD0] =	vst v10;
	v1 =	vsel vm1, v1, v6  }
0x7f: {  	v5 =	vld [tilespmem:s18+$0x30];
	[tilespmem:s16+$0xFFFFFFE0] =	vst v3;
	v0 =	vsel vm2, v0, v7  }
0x80: {  	v3 =	vld [tilespmem:s19+$0xFFFFFFE0];
	[tilespmem:s16+$0xFFFFFFF0] =	vst v1;
	v2 =	vsel vm3, v2, v8  }
0x81: {  	v1 =	vld [tilespmem:s19+$0xFFFFFFF0];
	[tilespmem:s16+$0x0] =	vst v0;
	v4 =	vsel vm4, v4, v9  }
0x82: {  	v0 =	vld [tilespmem:s19+$0x0];
	vm0 =	vgt.f32 v12, $8.999999760e-01;
	vm1 =	vlt.f32 v12, $1.000000010e-01;
	[tilespmem:s16+$0x10] =	vst v2  }
0x83: {  	vm2 =	vgt.f32 v13, $8.999999760e-01;
	vm3 =	vlt.f32 v13, $1.000000010e-01;
	v2 =	vld [tilespmem:s19+$0x10];
	vm0 =	vmor vm0, vm1;
	[tilespmem:s16+$0x20] =	vst v4;
	s16 =	smov.u32 s18  }
0x84: {  	vm5 =	vmor vm2, vm3;
	v4 =	vld [tilespmem:s19+$0x20];
	v5 =	vsel vm0, v12, v5  }
0x85: {  	v9 =	vld [tilespmem:s19+$0xFFFFFFC0];
	vm0 =	vgt.f32 v3, $8.999999760e-01;
	vm1 =	vlt.f32 v3, $1.000000010e-01;
	[tilespmem:s18+$0x30] =	vst v5  }
0x86: {  	v10 =	vld [tilespmem:s18+$0xFFFFFFC0];
	vm0 =	vmor vm0, vm1;
	vm1 =	vgt.f32 v1, $8.999999760e-01;
	vm2 =	vlt.f32 v1, $1.000000010e-01  }
0x87: {  	v12 =	vld [tilespmem:s18+$0xFFFFFFD0];
	vm1 =	vmor vm1, vm2;
	vm2 =	vgt.f32 v0, $8.999999760e-01;
	vm3 =	vlt.f32 v0, $1.000000010e-01  }
.Ltmp2:
0x88: {  	v5 =	vld [tilespmem:s18+$0xFFFFFFE0];
	vm2 =	vmor vm2, vm3;
	vm3 =	vgt.f32 v2, $8.999999760e-01;
	vm4 =	vlt.f32 v2, $1.000000010e-01;
	(pc) =	sbr.rel @p1 .LBB2_8-.Ltmp2, $4  }
0x89: {  	v6 =	vld [tilespmem:s18+$0xFFFFFFF0];
	vm3 =	vmor vm3, vm4;
	vm4 =	vgt.f32 v4, $8.999999760e-01;
	vm6 =	vlt.f32 v4, $1.000000010e-01  }
0x8a: {  	vm7 =	vgt.f32 v9, $8.999999760e-01;
	vm8 =	vlt.f32 v9, $1.000000010e-01;
	v7 =	vld [tilespmem:s18+$0x0];
	vm4 =	vmor vm4, vm6  }
0x8b: {  	vm6 =	vmor vm7, vm8;
	v8 =	vld [tilespmem:s18+$0x10]  }
0x8c: {  	s19 =	sadd.s32 $0x400, s19;
	v11 =	vsel vm6, v9, v10;
	v10 =	vsel vm5, v13, v12;
	v9 =	vld [tilespmem:s18+$0x20]  }
0x8d: {  	[tilespmem:s18+$0xFFFFFFC0] =	vst v11;
	s22 =	sadd.s32 $0x1, s22  }
0x8e: {  	v3 =	vsel vm0, v3, v5;
	[tilespmem:s16+$0xFFFFFFD0] =	vst v10;
	p1 =	sne.s32 s22, $0x8  }
.Ltmp3:
0x8f: {  	v1 =	vsel vm1, v1, v6;
	[tilespmem:s16+$0xFFFFFFE0] =	vst v3;
	(pc) =	sbr.rel @p1 .LBB2_7-.Ltmp3, $4  }
0x90: {  	v0 =	vsel vm2, v0, v7;
	[tilespmem:s16+$0xFFFFFFF0] =	vst v1  }
0x91: {  	v62 =	vsel vm3, v2, v8;
	[tilespmem:s16+$0x0] =	vst v0  }
0x92: {  	v63 =	vsel vm4, v4, v9;
	[tilespmem:s16+$0x10] =	vst v62  }
0x93: {  	s24 =	sadd.s32 $0x80, s24;
	s6 =	sadd.s32 $0x80, s6;
	[tilespmem:s16+$0x20] =	vst v63  }
0x94: {  	s6 =	sshll.u32 s30, $0x6;
	s16 =	rddreg [dreg:$0x4]  }
0x95: {  	s6 =	sadd.s32 s6, s16  }
0x96: {  	s6 =	sshll.u32 s6, $0x6  }
0x97: {  	s17 =	simm.s32 $0x9000;
	s26 =	sadd.s32 s4, s6  }
0x98: {  	s18 =	sor.u32 $0x6, s2;
	s16 =	simm.s32 @!p0 $0xF;
	s6 =	sadd.s32 $0x200, s26  }
0x99: {  	[hbm4b:s6+s5] =	stream.linear.scatter [tilespmem:s17], [sflag:$0xA], $0x1000, $0x38;
	[tilespmem:$0x10000] =	vst v63  }
0x9a: {  	s6 =	sadd.s32 s14, s18;
	_ =	swait.ge @!p0 [sflag:s16], $0x1000  }
0x9b: {  	s24 =	simm.s32 $0x0;
	s22 =	sshll.u32 s6, $0x9;
	[sflag:s16] =	ssyncset.done @!p0 $0x0  }
0x9c: {  	s19 =	simm.s32 $0x6000;
	s6 =	sadd.s32 s1, s22;
	[sflag:s16] =	ssyncadd.s32 @!p0 $0xFFFFF000  }
0x9d: {  	[tilespmem:s19], [sflag:$0x7] =	stream.linear.gather [hbm4b:s6+s24], $0x1000, $0x38;
	[tilespmem:$0x10000] =	vst v63  }
0x9e: {  	s20 =	sadd.s32 s3, s22  }
0x9f: {  	[tilespmem:s7], [sflag:$0x7] =	stream.linear.gather [hbm4b:s20+s24], $0x1000, $0x38;
	[tilespmem:$0x10000] =	vst v63  }
0xa0: {  	_ =	swait.ge [sflag:s8], $0x1000  }
0xa1: {  	[sflag:s8] =	ssyncset.done $0x0  }
0xa2: {  	[sflag:s8] =	ssyncadd.s32 $0xFFFFF000  }
0xa3: {  	_ =	swait.ge [sflag:s8], $0x1000  }
0xa4: {  	s29 =	sor.u32 $0x2, s2;
	[sflag:s8] =	ssyncset.done $0x0  }
0xa5: {  	s16 =	simm.s32 $0x2040;
	s19 =	simm.s32 $0xA040;
	[sflag:s8] =	ssyncadd.s32 $0xFFFFF000  }
.LBB2_11:
0xa6: {  	v5 =	vld [tilespmem:s16+$0x30]  }
0xa7: {  	v9 =	vld [tilespmem:s16+$0xFFFFFFD0]  }
0xa8: {  	v6 =	vld [tilespmem:s19+$0x30]  }
0xa9: {  	v3 =	vld [tilespmem:s16+$0xFFFFFFE0]  }
0xaa: {  	v1 =	vld [tilespmem:s16+$0xFFFFFFF0]  }
0xab: {  	v0 =	vld [tilespmem:s16+$0x0]  }
0xac: {  	v2 =	vld [tilespmem:s16+$0x10];
	vm0 =	vgt.f32 v5, $8.999999760e-01  }
0xad: {  	v4 =	vld [tilespmem:s16+$0x20];
	vm1 =	vlt.f32 v5, $1.000000010e-01;
	vm2 =	vgt.f32 v9, $8.999999760e-01;
	vm3 =	vlt.f32 v9, $1.000000010e-01  }
0xae: {  	v10 =	vld [tilespmem:s16+$0xFFFFFFC0];
	vm0 =	vmor vm0, vm1;
	vm5 =	vmor vm2, vm3  }
0xaf: {  	v12 =	vld [tilespmem:s19+$0xFFFFFFC0];
	vm1 =	vlt.f32 v3, $1.000000010e-01;
	v11 =	vsel vm0, v5, v6;
	vm0 =	vgt.f32 v3, $8.999999760e-01  }
0xb0: {  	v13 =	vld [tilespmem:s19+$0xFFFFFFD0];
	vm2 =	vlt.f32 v1, $1.000000010e-01;
	vm0 =	vmor vm0, vm1;
	vm1 =	vgt.f32 v1, $8.999999760e-01  }
0xb1: {  	vm3 =	vlt.f32 v0, $1.000000010e-01;
	v5 =	vld [tilespmem:s19+$0xFFFFFFE0];
	vm1 =	vmor vm1, vm2;
	vm2 =	vgt.f32 v0, $8.999999760e-01  }
0xb2: {  	vm4 =	vlt.f32 v2, $1.000000010e-01;
	v6 =	vld [tilespmem:s19+$0xFFFFFFF0];
	vm2 =	vmor vm2, vm3;
	vm3 =	vgt.f32 v2, $8.999999760e-01  }
0xb3: {  	v7 =	vld [tilespmem:s19+$0x0];
	vm6 =	vlt.f32 v10, $1.000000010e-01;
	vm3 =	vmor vm3, vm4;
	vm4 =	vgt.f32 v10, $8.999999760e-01  }
0xb4: {  	v8 =	vld [tilespmem:s19+$0x10];
	s18 =	simm.s32 $0x0;
	vm7 =	vgt.f32 v4, $8.999999760e-01;
	vm8 =	vlt.f32 v4, $1.000000010e-01;
	vm6 =	vmor vm4, vm6  }
0xb5: {  	s20 =	sadd.s32 $0x400, s16;
	s17 =	smov.u32 s19;
	s6 =	smov.u32 s19;
	[tilespmem:s19+$0x30] =	vst v11;
	vm4 =	vmor vm7, vm8;
	v11 =	vsel vm6, v10, v12;
	v10 =	vsel vm5, v9, v13;
	v9 =	vld [tilespmem:s19+$0x20]  }
.LBB2_12:
0xb6: {  	v12 =	vld [tilespmem:s20+$0x30];
	s18 =	sadd.s32 $0x80, s18;
	[tilespmem:s17+$0xFFFFFFC0] =	vst v11;
	v3 =	vsel vm0, v3, v5  }
0xb7: {  	s17 =	sadd.s32 $0x400, s17;
	v13 =	vld [tilespmem:s20+$0xFFFFFFD0];
	p1 =	slt.u32 s18, $0x180;
	[tilespmem:s6+$0xFFFFFFD0] =	vst v10;
	v1 =	vsel vm1, v1, v6  }
0xb8: {  	v5 =	vld [tilespmem:s17+$0x30];
	[tilespmem:s6+$0xFFFFFFE0] =	vst v3;
	v0 =	vsel vm2, v0, v7  }
0xb9: {  	v3 =	vld [tilespmem:s20+$0xFFFFFFE0];
	[tilespmem:s6+$0xFFFFFFF0] =	vst v1;
	v2 =	vsel vm3, v2, v8  }
0xba: {  	v1 =	vld [tilespmem:s20+$0xFFFFFFF0];
	[tilespmem:s6+$0x0] =	vst v0;
	v4 =	vsel vm4, v4, v9  }
0xbb: {  	v0 =	vld [tilespmem:s20+$0x0];
	vm0 =	vgt.f32 v12, $8.999999760e-01;
	vm1 =	vlt.f32 v12, $1.000000010e-01;
	[tilespmem:s6+$0x10] =	vst v2  }
0xbc: {  	vm2 =	vgt.f32 v13, $8.999999760e-01;
	vm3 =	vlt.f32 v13, $1.000000010e-01;
	v2 =	vld [tilespmem:s20+$0x10];
	vm0 =	vmor vm0, vm1;
	[tilespmem:s6+$0x20] =	vst v4;
	s6 =	smov.u32 s17  }
0xbd: {  	vm5 =	vmor vm2, vm3;
	v4 =	vld [tilespmem:s20+$0x20];
	v5 =	vsel vm0, v12, v5  }
0xbe: {  	v9 =	vld [tilespmem:s20+$0xFFFFFFC0];
	vm0 =	vgt.f32 v3, $8.999999760e-01;
	vm1 =	vlt.f32 v3, $1.000000010e-01;
	[tilespmem:s17+$0x30] =	vst v5  }
0xbf: {  	v10 =	vld [tilespmem:s17+$0xFFFFFFC0];
	vm0 =	vmor vm0, vm1;
	vm1 =	vgt.f32 v1, $8.999999760e-01;
	vm2 =	vlt.f32 v1, $1.000000010e-01  }
0xc0: {  	v12 =	vld [tilespmem:s17+$0xFFFFFFD0];
	vm1 =	vmor vm1, vm2;
	vm2 =	vgt.f32 v0, $8.999999760e-01;
	vm3 =	vlt.f32 v0, $1.000000010e-01  }
.Ltmp4:
0xc1: {  	v5 =	vld [tilespmem:s17+$0xFFFFFFE0];
	vm2 =	vmor vm2, vm3;
	vm3 =	vgt.f32 v2, $8.999999760e-01;
	vm4 =	vlt.f32 v2, $1.000000010e-01;
	(pc) =	sbr.rel @p1 .LBB2_12-.Ltmp4, $4  }
0xc2: {  	v6 =	vld [tilespmem:s17+$0xFFFFFFF0];
	vm3 =	vmor vm3, vm4;
	vm4 =	vgt.f32 v4, $8.999999760e-01;
	vm6 =	vlt.f32 v4, $1.000000010e-01  }
0xc3: {  	vm7 =	vgt.f32 v9, $8.999999760e-01;
	vm8 =	vlt.f32 v9, $1.000000010e-01;
	v7 =	vld [tilespmem:s17+$0x0];
	vm4 =	vmor vm4, vm6  }
0xc4: {  	vm6 =	vmor vm7, vm8;
	v8 =	vld [tilespmem:s17+$0x10]  }
0xc5: {  	s20 =	sadd.s32 $0x400, s20;
	v11 =	vsel vm6, v9, v10;
	v10 =	vsel vm5, v13, v12;
	v9 =	vld [tilespmem:s17+$0x20]  }
0xc6: {  	[tilespmem:s17+$0xFFFFFFC0] =	vst v11;
	s24 =	sadd.s32 $0x1, s24  }
0xc7: {  	v3 =	vsel vm0, v3, v5;
	[tilespmem:s6+$0xFFFFFFD0] =	vst v10;
	p1 =	sne.s32 s24, $0x8  }
.Ltmp5:
0xc8: {  	v1 =	vsel vm1, v1, v6;
	[tilespmem:s6+$0xFFFFFFE0] =	vst v3;
	(pc) =	sbr.rel @p1 .LBB2_11-.Ltmp5, $4  }
0xc9: {  	v0 =	vsel vm2, v0, v7;
	[tilespmem:s6+$0xFFFFFFF0] =	vst v1  }
0xca: {  	v62 =	vsel vm3, v2, v8;
	[tilespmem:s6+$0x0] =	vst v0  }
0xcb: {  	v63 =	vsel vm4, v4, v9;
	[tilespmem:s6+$0x10] =	vst v62  }
0xcc: {  	s19 =	sadd.s32 $0x80, s19;
	s16 =	sadd.s32 $0x80, s16;
	[tilespmem:s6+$0x20] =	vst v63  }
0xcd: {  	s6 =	sadd.s32 s14, s29  }
0xce: {  	s6 =	sshll.u32 s6, $0x9  }
0xcf: {  	s16 =	simm.s32 $0xA000;
	s6 =	sadd.s32 s4, s6  }
0xd0: {  	[hbm4b:s6+s5] =	stream.linear.scatter [tilespmem:s16], [sflag:$0xB], $0x1000, $0x38;
	[tilespmem:$0x10000] =	vst v63  }
0xd1: {  	s18 =	sor.u32 $0x7, s2;
	s16 =	simm.s32 @!p0 $0x10  }
0xd2: {  	s6 =	sadd.s32 s14, s18;
	_ =	swait.ge @!p0 [sflag:s16], $0x1000  }
0xd3: {  	s29 =	simm.s32 $0x0;
	s24 =	sshll.u32 s6, $0x9;
	[sflag:s16] =	ssyncset.done @!p0 $0x0  }
0xd4: {  	s19 =	simm.s32 $0x7000;
	s6 =	sadd.s32 s1, s24;
	[sflag:s16] =	ssyncadd.s32 @!p0 $0xFFFFF000  }
0xd5: {  	[tilespmem:s19], [sflag:$0x8] =	stream.linear.gather [hbm4b:s6+s29], $0x1000, $0x38;
	[tilespmem:$0x10000] =	vst v63  }
0xd6: {  	s20 =	sadd.s32 s3, s24  }
0xd7: {  	[tilespmem:s10], [sflag:$0x8] =	stream.linear.gather [hbm4b:s20+s29], $0x1000, $0x38;
	[tilespmem:$0x10000] =	vst v63  }
0xd8: {  	_ =	swait.ge [sflag:s11], $0x1000  }
0xd9: {  	[sflag:s11] =	ssyncset.done $0x0  }
0xda: {  	[sflag:s11] =	ssyncadd.s32 $0xFFFFF000  }
0xdb: {  	_ =	swait.ge [sflag:s11], $0x1000  }
0xdc: {  	[sflag:s11] =	ssyncset.done $0x0  }
0xdd: {  	s16 =	simm.s32 $0x3040;
	s6 =	simm.s32 $0xB040;
	[sflag:s11] =	ssyncadd.s32 $0xFFFFF000  }
.LBB2_15:
0xde: {  	v5 =	vld [tilespmem:s16+$0x30]  }
0xdf: {  	v9 =	vld [tilespmem:s16+$0xFFFFFFD0]  }
0xe0: {  	v6 =	vld [tilespmem:s6+$0x30]  }
0xe1: {  	v3 =	vld [tilespmem:s16+$0xFFFFFFE0]  }
0xe2: {  	v1 =	vld [tilespmem:s16+$0xFFFFFFF0]  }
0xe3: {  	v0 =	vld [tilespmem:s16+$0x0]  }
0xe4: {  	v2 =	vld [tilespmem:s16+$0x10];
	vm0 =	vgt.f32 v5, $8.999999760e-01  }
0xe5: {  	v4 =	vld [tilespmem:s16+$0x20];
	vm1 =	vlt.f32 v5, $1.000000010e-01;
	vm2 =	vgt.f32 v9, $8.999999760e-01;
	vm3 =	vlt.f32 v9, $1.000000010e-01  }
0xe6: {  	v10 =	vld [tilespmem:s16+$0xFFFFFFC0];
	vm0 =	vmor vm0, vm1;
	vm5 =	vmor vm2, vm3  }
0xe7: {  	v12 =	vld [tilespmem:s6+$0xFFFFFFC0];
	vm1 =	vlt.f32 v3, $1.000000010e-01;
	v11 =	vsel vm0, v5, v6;
	vm0 =	vgt.f32 v3, $8.999999760e-01  }
0xe8: {  	v13 =	vld [tilespmem:s6+$0xFFFFFFD0];
	vm2 =	vlt.f32 v1, $1.000000010e-01;
	vm0 =	vmor vm0, vm1;
	vm1 =	vgt.f32 v1, $8.999999760e-01  }
0xe9: {  	vm3 =	vlt.f32 v0, $1.000000010e-01;
	v5 =	vld [tilespmem:s6+$0xFFFFFFE0];
	vm1 =	vmor vm1, vm2;
	vm2 =	vgt.f32 v0, $8.999999760e-01  }
0xea: {  	vm4 =	vlt.f32 v2, $1.000000010e-01;
	v6 =	vld [tilespmem:s6+$0xFFFFFFF0];
	vm2 =	vmor vm2, vm3;
	vm3 =	vgt.f32 v2, $8.999999760e-01  }
0xeb: {  	v7 =	vld [tilespmem:s6+$0x0];
	vm6 =	vlt.f32 v10, $1.000000010e-01;
	vm3 =	vmor vm3, vm4;
	vm4 =	vgt.f32 v10, $8.999999760e-01  }
0xec: {  	v8 =	vld [tilespmem:s6+$0x10];
	s18 =	simm.s32 $0x0;
	vm7 =	vgt.f32 v4, $8.999999760e-01;
	vm8 =	vlt.f32 v4, $1.000000010e-01;
	vm6 =	vmor vm4, vm6  }
0xed: {  	s20 =	sadd.s32 $0x400, s16;
	s19 =	smov.u32 s6;
	s17 =	smov.u32 s6;
	[tilespmem:s6+$0x30] =	vst v11;
	vm4 =	vmor vm7, vm8;
	v11 =	vsel vm6, v10, v12;
	v10 =	vsel vm5, v9, v13;
	v9 =	vld [tilespmem:s6+$0x20]  }
.LBB2_16:
0xee: {  	v12 =	vld [tilespmem:s20+$0x30];
	s18 =	sadd.s32 $0x80, s18;
	[tilespmem:s19+$0xFFFFFFC0] =	vst v11;
	v3 =	vsel vm0, v3, v5  }
0xef: {  	s19 =	sadd.s32 $0x400, s19;
	v13 =	vld [tilespmem:s20+$0xFFFFFFD0];
	p0 =	slt.u32 s18, $0x180;
	[tilespmem:s17+$0xFFFFFFD0] =	vst v10;
	v1 =	vsel vm1, v1, v6  }
0xf0: {  	v5 =	vld [tilespmem:s19+$0x30];
	[tilespmem:s17+$0xFFFFFFE0] =	vst v3;
	v0 =	vsel vm2, v0, v7  }
0xf1: {  	v3 =	vld [tilespmem:s20+$0xFFFFFFE0];
	[tilespmem:s17+$0xFFFFFFF0] =	vst v1;
	v2 =	vsel vm3, v2, v8  }
0xf2: {  	v1 =	vld [tilespmem:s20+$0xFFFFFFF0];
	[tilespmem:s17+$0x0] =	vst v0;
	v4 =	vsel vm4, v4, v9  }
0xf3: {  	v0 =	vld [tilespmem:s20+$0x0];
	vm0 =	vgt.f32 v12, $8.999999760e-01;
	vm1 =	vlt.f32 v12, $1.000000010e-01;
	[tilespmem:s17+$0x10] =	vst v2  }
0xf4: {  	vm2 =	vgt.f32 v13, $8.999999760e-01;
	vm3 =	vlt.f32 v13, $1.000000010e-01;
	v2 =	vld [tilespmem:s20+$0x10];
	vm0 =	vmor vm0, vm1;
	[tilespmem:s17+$0x20] =	vst v4;
	s17 =	smov.u32 s19  }
0xf5: {  	vm5 =	vmor vm2, vm3;
	v4 =	vld [tilespmem:s20+$0x20];
	v5 =	vsel vm0, v12, v5  }
0xf6: {  	v9 =	vld [tilespmem:s20+$0xFFFFFFC0];
	vm0 =	vgt.f32 v3, $8.999999760e-01;
	vm1 =	vlt.f32 v3, $1.000000010e-01;
	[tilespmem:s19+$0x30] =	vst v5  }
0xf7: {  	v10 =	vld [tilespmem:s19+$0xFFFFFFC0];
	vm0 =	vmor vm0, vm1;
	vm1 =	vgt.f32 v1, $8.999999760e-01;
	vm2 =	vlt.f32 v1, $1.000000010e-01  }
0xf8: {  	v12 =	vld [tilespmem:s19+$0xFFFFFFD0];
	vm1 =	vmor vm1, vm2;
	vm2 =	vgt.f32 v0, $8.999999760e-01;
	vm3 =	vlt.f32 v0, $1.000000010e-01  }
.Ltmp6:
0xf9: {  	v5 =	vld [tilespmem:s19+$0xFFFFFFE0];
	vm2 =	vmor vm2, vm3;
	vm3 =	vgt.f32 v2, $8.999999760e-01;
	vm4 =	vlt.f32 v2, $1.000000010e-01;
	(pc) =	sbr.rel @p0 .LBB2_16-.Ltmp6, $4  }
0xfa: {  	v6 =	vld [tilespmem:s19+$0xFFFFFFF0];
	vm3 =	vmor vm3, vm4;
	vm4 =	vgt.f32 v4, $8.999999760e-01;
	vm6 =	vlt.f32 v4, $1.000000010e-01  }
0xfb: {  	vm7 =	vgt.f32 v9, $8.999999760e-01;
	vm8 =	vlt.f32 v9, $1.000000010e-01;
	v7 =	vld [tilespmem:s19+$0x0];
	vm4 =	vmor vm4, vm6  }
0xfc: {  	vm6 =	vmor vm7, vm8;
	v8 =	vld [tilespmem:s19+$0x10]  }
0xfd: {  	s20 =	sadd.s32 $0x400, s20;
	v11 =	vsel vm6, v9, v10;
	v10 =	vsel vm5, v13, v12;
	v9 =	vld [tilespmem:s19+$0x20]  }
0xfe: {  	[tilespmem:s19+$0xFFFFFFC0] =	vst v11;
	s29 =	sadd.s32 $0x1, s29  }
0xff: {  	v3 =	vsel vm0, v3, v5;
	[tilespmem:s17+$0xFFFFFFD0] =	vst v10;
	p0 =	sne.s32 s29, $0x8  }
.Ltmp7:
0x100: {  	v1 =	vsel vm1, v1, v6;
	[tilespmem:s17+$0xFFFFFFE0] =	vst v3;
	(pc) =	sbr.rel @p0 .LBB2_15-.Ltmp7, $4  }
0x101: {  	v0 =	vsel vm2, v0, v7;
	[tilespmem:s17+$0xFFFFFFF0] =	vst v1  }
0x102: {  	v62 =	vsel vm3, v2, v8;
	[tilespmem:s17+$0x0] =	vst v0  }
0x103: {  	v63 =	vsel vm4, v4, v9;
	[tilespmem:s17+$0x10] =	vst v62  }
0x104: {  	s6 =	sadd.s32 $0x80, s6;
	s16 =	sadd.s32 $0x80, s16;
	[tilespmem:s17+$0x20] =	vst v63  }
0x105: {  	s6 =	sadd.s32 $0x600, s26;
	s16 =	simm.s32 $0xB000;
	p0 =	seq.s32 s30, $0xF  }
0x106: {  	[hbm4b:s6+s5] =	stream.linear.scatter [tilespmem:s16], [sflag:$0xC], $0x1000, $0x38;
	[tilespmem:$0x10000] =	vst v63  }
0x107: {  	s6 =	simm.s32 @!p0 $0x9  }
0x108: {  	_ =	swait.ge @!p0 [sflag:s6], $0x1000  }
0x109: {  	s16 =	rddreg [dreg:$0xe]  }
0x10a: {  	s16 =	sadd.s32 @!p0 s2, s16  }
0x10b: {  	[sflag:s6] =	ssyncset.done @!p0 $0x0;
	s16 =	sshll.u32 @!p0 s16, $0x9  }
0x10c: {  	s17 =	simm.s32 @!p0 $0x0;
	[sflag:s6] =	ssyncadd.s32 @!p0 $0xFFFFF000;
	s6 =	sadd.s32 @!p0 s1, s16  }
0x10d: {  	[tilespmem:s17], [sflag:$0x1] =	stream.linear.gather @!p0 [hbm4b:s6+s17], $0x1000, $0x38;
	[tilespmem:$0x10000] =	vst v63  }
0x10e: {  	s6 =	sadd.s32 @!p0 s3, s16;
	s16 =	simm.s32 @!p0 $0x8000  }
0x10f: {  	[tilespmem:s16], [sflag:$0x1] =	stream.linear.gather @!p0 [hbm4b:s6+s17], $0x1000, $0x38;
	[tilespmem:$0x10000] =	vst v63  }
0x110: {  	_ =	swait.ge [sflag:s12], $0x1000  }
0x111: {  	[sflag:s12] =	ssyncset.done $0x0  }
0x112: {  	[sflag:s12] =	ssyncadd.s32 $0xFFFFF000  }
0x113: {  	_ =	swait.ge [sflag:s12], $0x1000  }
0x114: {  	s26 =	simm.s32 $0x0;
	[sflag:s12] =	ssyncset.done $0x0  }
0x115: {  	s6 =	simm.s32 $0xC040;
	s16 =	simm.s32 $0x4040;
	[sflag:s12] =	ssyncadd.s32 $0xFFFFF000  }
.LBB2_19:
0x116: {  	v5 =	vld [tilespmem:s16+$0x30]  }
0x117: {  	v9 =	vld [tilespmem:s16+$0xFFFFFFD0]  }
0x118: {  	v6 =	vld [tilespmem:s6+$0x30]  }
0x119: {  	v3 =	vld [tilespmem:s16+$0xFFFFFFE0]  }
0x11a: {  	v1 =	vld [tilespmem:s16+$0xFFFFFFF0]  }
0x11b: {  	v0 =	vld [tilespmem:s16+$0x0]  }
0x11c: {  	v2 =	vld [tilespmem:s16+$0x10];
	vm0 =	vgt.f32 v5, $8.999999760e-01  }
0x11d: {  	v4 =	vld [tilespmem:s16+$0x20];
	vm1 =	vlt.f32 v5, $1.000000010e-01;
	vm2 =	vgt.f32 v9, $8.999999760e-01;
	vm3 =	vlt.f32 v9, $1.000000010e-01  }
0x11e: {  	v10 =	vld [tilespmem:s16+$0xFFFFFFC0];
	vm0 =	vmor vm0, vm1;
	vm5 =	vmor vm2, vm3  }
0x11f: {  	v12 =	vld [tilespmem:s6+$0xFFFFFFC0];
	vm1 =	vlt.f32 v3, $1.000000010e-01;
	v11 =	vsel vm0, v5, v6;
	vm0 =	vgt.f32 v3, $8.999999760e-01  }
0x120: {  	v13 =	vld [tilespmem:s6+$0xFFFFFFD0];
	vm2 =	vlt.f32 v1, $1.000000010e-01;
	vm0 =	vmor vm0, vm1;
	vm1 =	vgt.f32 v1, $8.999999760e-01  }
0x121: {  	vm3 =	vlt.f32 v0, $1.000000010e-01;
	v5 =	vld [tilespmem:s6+$0xFFFFFFE0];
	vm1 =	vmor vm1, vm2;
	vm2 =	vgt.f32 v0, $8.999999760e-01  }
0x122: {  	vm4 =	vlt.f32 v2, $1.000000010e-01;
	v6 =	vld [tilespmem:s6+$0xFFFFFFF0];
	vm2 =	vmor vm2, vm3;
	vm3 =	vgt.f32 v2, $8.999999760e-01  }
0x123: {  	v7 =	vld [tilespmem:s6+$0x0];
	vm6 =	vlt.f32 v10, $1.000000010e-01;
	vm3 =	vmor vm3, vm4;
	vm4 =	vgt.f32 v10, $8.999999760e-01  }
0x124: {  	v8 =	vld [tilespmem:s6+$0x10];
	s18 =	simm.s32 $0x0;
	vm7 =	vgt.f32 v4, $8.999999760e-01;
	vm8 =	vlt.f32 v4, $1.000000010e-01;
	vm6 =	vmor vm4, vm6  }
0x125: {  	s20 =	sadd.s32 $0x400, s16;
	s19 =	smov.u32 s6;
	s17 =	smov.u32 s6;
	[tilespmem:s6+$0x30] =	vst v11;
	vm4 =	vmor vm7, vm8;
	v11 =	vsel vm6, v10, v12;
	v10 =	vsel vm5, v9, v13;
	v9 =	vld [tilespmem:s6+$0x20]  }
.LBB2_20:
0x126: {  	v12 =	vld [tilespmem:s20+$0x30];
	s18 =	sadd.s32 $0x80, s18;
	[tilespmem:s19+$0xFFFFFFC0] =	vst v11;
	v3 =	vsel vm0, v3, v5  }
0x127: {  	s19 =	sadd.s32 $0x400, s19;
	v13 =	vld [tilespmem:s20+$0xFFFFFFD0];
	p1 =	slt.u32 s18, $0x180;
	[tilespmem:s17+$0xFFFFFFD0] =	vst v10;
	v1 =	vsel vm1, v1, v6  }
0x128: {  	v5 =	vld [tilespmem:s19+$0x30];
	[tilespmem:s17+$0xFFFFFFE0] =	vst v3;
	v0 =	vsel vm2, v0, v7  }
0x129: {  	v3 =	vld [tilespmem:s20+$0xFFFFFFE0];
	[tilespmem:s17+$0xFFFFFFF0] =	vst v1;
	v2 =	vsel vm3, v2, v8  }
0x12a: {  	v1 =	vld [tilespmem:s20+$0xFFFFFFF0];
	[tilespmem:s17+$0x0] =	vst v0;
	v4 =	vsel vm4, v4, v9  }
0x12b: {  	v0 =	vld [tilespmem:s20+$0x0];
	vm0 =	vgt.f32 v12, $8.999999760e-01;
	vm1 =	vlt.f32 v12, $1.000000010e-01;
	[tilespmem:s17+$0x10] =	vst v2  }
0x12c: {  	vm2 =	vgt.f32 v13, $8.999999760e-01;
	vm3 =	vlt.f32 v13, $1.000000010e-01;
	v2 =	vld [tilespmem:s20+$0x10];
	vm0 =	vmor vm0, vm1;
	[tilespmem:s17+$0x20] =	vst v4;
	s17 =	smov.u32 s19  }
0x12d: {  	vm5 =	vmor vm2, vm3;
	v4 =	vld [tilespmem:s20+$0x20];
	v5 =	vsel vm0, v12, v5  }
0x12e: {  	v9 =	vld [tilespmem:s20+$0xFFFFFFC0];
	vm0 =	vgt.f32 v3, $8.999999760e-01;
	vm1 =	vlt.f32 v3, $1.000000010e-01;
	[tilespmem:s19+$0x30] =	vst v5  }
0x12f: {  	v10 =	vld [tilespmem:s19+$0xFFFFFFC0];
	vm0 =	vmor vm0, vm1;
	vm1 =	vgt.f32 v1, $8.999999760e-01;
	vm2 =	vlt.f32 v1, $1.000000010e-01  }
0x130: {  	v12 =	vld [tilespmem:s19+$0xFFFFFFD0];
	vm1 =	vmor vm1, vm2;
	vm2 =	vgt.f32 v0, $8.999999760e-01;
	vm3 =	vlt.f32 v0, $1.000000010e-01  }
.Ltmp8:
0x131: {  	v5 =	vld [tilespmem:s19+$0xFFFFFFE0];
	vm2 =	vmor vm2, vm3;
	vm3 =	vgt.f32 v2, $8.999999760e-01;
	vm4 =	vlt.f32 v2, $1.000000010e-01;
	(pc) =	sbr.rel @p1 .LBB2_20-.Ltmp8, $4  }
0x132: {  	v6 =	vld [tilespmem:s19+$0xFFFFFFF0];
	vm3 =	vmor vm3, vm4;
	vm4 =	vgt.f32 v4, $8.999999760e-01;
	vm6 =	vlt.f32 v4, $1.000000010e-01  }
0x133: {  	vm7 =	vgt.f32 v9, $8.999999760e-01;
	vm8 =	vlt.f32 v9, $1.000000010e-01;
	v7 =	vld [tilespmem:s19+$0x0];
	vm4 =	vmor vm4, vm6  }
0x134: {  	vm6 =	vmor vm7, vm8;
	v8 =	vld [tilespmem:s19+$0x10]  }
0x135: {  	s20 =	sadd.s32 $0x400, s20;
	v11 =	vsel vm6, v9, v10;
	v10 =	vsel vm5, v13, v12;
	v9 =	vld [tilespmem:s19+$0x20]  }
0x136: {  	[tilespmem:s19+$0xFFFFFFC0] =	vst v11;
	s26 =	sadd.s32 $0x1, s26  }
0x137: {  	v3 =	vsel vm0, v3, v5;
	[tilespmem:s17+$0xFFFFFFD0] =	vst v10;
	p1 =	sne.s32 s26, $0x8  }
.Ltmp9:
0x138: {  	v1 =	vsel vm1, v1, v6;
	[tilespmem:s17+$0xFFFFFFE0] =	vst v3;
	(pc) =	sbr.rel @p1 .LBB2_19-.Ltmp9, $4  }
0x139: {  	v0 =	vsel vm2, v0, v7;
	[tilespmem:s17+$0xFFFFFFF0] =	vst v1  }
0x13a: {  	v62 =	vsel vm3, v2, v8;
	[tilespmem:s17+$0x0] =	vst v0  }
0x13b: {  	v63 =	vsel vm4, v4, v9;
	[tilespmem:s17+$0x10] =	vst v62  }
0x13c: {  	s6 =	sadd.s32 $0x80, s6;
	s16 =	sadd.s32 $0x80, s16;
	[tilespmem:s17+$0x20] =	vst v63  }
0x13d: {  	s6 =	sadd.s32 s4, s9  }
0x13e: {  	[hbm4b:s6+s5] =	stream.linear.scatter [tilespmem:s31], [sflag:$0xD], $0x1000, $0x38;
	[tilespmem:$0x10000] =	vst v63  }
0x13f: {  	s6 =	simm.s32 @!p0 $0xA  }
0x140: {  	_ =	swait.ge @!p0 [sflag:s6], $0x1000  }
0x141: {  	s9 =	rddreg [dreg:$0xf]  }
0x142: {  	[sflag:s6] =	ssyncset.done @!p0 $0x0;
	s9 =	sadd.s32 @!p0 s2, s9  }
0x143: {  	[sflag:s6] =	ssyncadd.s32 @!p0 $0xFFFFF000;
	s6 =	sshll.u32 @!p0 s9, $0x9  }
0x144: {  	s16 =	simm.s32 @!p0 $0x0;
	s17 =	simm.s32 @!p0 $0x1000;
	s9 =	sadd.s32 @!p0 s1, s6  }
0x145: {  	[tilespmem:s17], [sflag:$0x2] =	stream.linear.gather @!p0 [hbm4b:s9+s16], $0x1000, $0x38;
	[tilespmem:$0x10000] =	vst v63  }
0x146: {  	s6 =	sadd.s32 @!p0 s3, s6;
	s9 =	simm.s32 @!p0 $0x9000  }
0x147: {  	[tilespmem:s9], [sflag:$0x2] =	stream.linear.gather @!p0 [hbm4b:s6+s16], $0x1000, $0x38;
	[tilespmem:$0x10000] =	vst v63  }
0x148: {  	_ =	swait.ge [sflag:s13], $0x1000  }
0x149: {  	[sflag:s13] =	ssyncset.done $0x0  }
0x14a: {  	[sflag:s13] =	ssyncadd.s32 $0xFFFFF000  }
0x14b: {  	_ =	swait.ge [sflag:s13], $0x1000  }
0x14c: {  	s9 =	simm.s32 $0x0;
	[sflag:s13] =	ssyncset.done $0x0  }
0x14d: {  	s6 =	simm.s32 $0xD040;
	s16 =	simm.s32 $0x5040;
	[sflag:s13] =	ssyncadd.s32 $0xFFFFF000  }
.LBB2_23:
0x14e: {  	v5 =	vld [tilespmem:s16+$0x30]  }
0x14f: {  	v9 =	vld [tilespmem:s16+$0xFFFFFFD0]  }
0x150: {  	v6 =	vld [tilespmem:s6+$0x30]  }
0x151: {  	v3 =	vld [tilespmem:s16+$0xFFFFFFE0]  }
0x152: {  	v1 =	vld [tilespmem:s16+$0xFFFFFFF0]  }
0x153: {  	v0 =	vld [tilespmem:s16+$0x0]  }
0x154: {  	v2 =	vld [tilespmem:s16+$0x10];
	vm0 =	vgt.f32 v5, $8.999999760e-01  }
0x155: {  	v4 =	vld [tilespmem:s16+$0x20];
	vm1 =	vlt.f32 v5, $1.000000010e-01;
	vm2 =	vgt.f32 v9, $8.999999760e-01;
	vm3 =	vlt.f32 v9, $1.000000010e-01  }
0x156: {  	v10 =	vld [tilespmem:s16+$0xFFFFFFC0];
	vm0 =	vmor vm0, vm1;
	vm5 =	vmor vm2, vm3  }
0x157: {  	v12 =	vld [tilespmem:s6+$0xFFFFFFC0];
	vm1 =	vlt.f32 v3, $1.000000010e-01;
	v11 =	vsel vm0, v5, v6;
	vm0 =	vgt.f32 v3, $8.999999760e-01  }
0x158: {  	v13 =	vld [tilespmem:s6+$0xFFFFFFD0];
	vm2 =	vlt.f32 v1, $1.000000010e-01;
	vm0 =	vmor vm0, vm1;
	vm1 =	vgt.f32 v1, $8.999999760e-01  }
0x159: {  	vm3 =	vlt.f32 v0, $1.000000010e-01;
	v5 =	vld [tilespmem:s6+$0xFFFFFFE0];
	vm1 =	vmor vm1, vm2;
	vm2 =	vgt.f32 v0, $8.999999760e-01  }
0x15a: {  	vm4 =	vlt.f32 v2, $1.000000010e-01;
	v6 =	vld [tilespmem:s6+$0xFFFFFFF0];
	vm2 =	vmor vm2, vm3;
	vm3 =	vgt.f32 v2, $8.999999760e-01  }
0x15b: {  	v7 =	vld [tilespmem:s6+$0x0];
	vm6 =	vlt.f32 v10, $1.000000010e-01;
	vm3 =	vmor vm3, vm4;
	vm4 =	vgt.f32 v10, $8.999999760e-01  }
0x15c: {  	v8 =	vld [tilespmem:s6+$0x10];
	s18 =	simm.s32 $0x0;
	vm7 =	vgt.f32 v4, $8.999999760e-01;
	vm8 =	vlt.f32 v4, $1.000000010e-01;
	vm6 =	vmor vm4, vm6  }
0x15d: {  	s20 =	sadd.s32 $0x400, s16;
	s19 =	smov.u32 s6;
	s17 =	smov.u32 s6;
	[tilespmem:s6+$0x30] =	vst v11;
	vm4 =	vmor vm7, vm8;
	v11 =	vsel vm6, v10, v12;
	v10 =	vsel vm5, v9, v13;
	v9 =	vld [tilespmem:s6+$0x20]  }
.LBB2_24:
0x15e: {  	v12 =	vld [tilespmem:s20+$0x30];
	s18 =	sadd.s32 $0x80, s18;
	[tilespmem:s19+$0xFFFFFFC0] =	vst v11;
	v3 =	vsel vm0, v3, v5  }
0x15f: {  	s19 =	sadd.s32 $0x400, s19;
	v13 =	vld [tilespmem:s20+$0xFFFFFFD0];
	p1 =	slt.u32 s18, $0x180;
	[tilespmem:s17+$0xFFFFFFD0] =	vst v10;
	v1 =	vsel vm1, v1, v6  }
0x160: {  	v5 =	vld [tilespmem:s19+$0x30];
	[tilespmem:s17+$0xFFFFFFE0] =	vst v3;
	v0 =	vsel vm2, v0, v7  }
0x161: {  	v3 =	vld [tilespmem:s20+$0xFFFFFFE0];
	[tilespmem:s17+$0xFFFFFFF0] =	vst v1;
	v2 =	vsel vm3, v2, v8  }
0x162: {  	v1 =	vld [tilespmem:s20+$0xFFFFFFF0];
	[tilespmem:s17+$0x0] =	vst v0;
	v4 =	vsel vm4, v4, v9  }
0x163: {  	v0 =	vld [tilespmem:s20+$0x0];
	vm0 =	vgt.f32 v12, $8.999999760e-01;
	vm1 =	vlt.f32 v12, $1.000000010e-01;
	[tilespmem:s17+$0x10] =	vst v2  }
0x164: {  	vm2 =	vgt.f32 v13, $8.999999760e-01;
	vm3 =	vlt.f32 v13, $1.000000010e-01;
	v2 =	vld [tilespmem:s20+$0x10];
	vm0 =	vmor vm0, vm1;
	[tilespmem:s17+$0x20] =	vst v4;
	s17 =	smov.u32 s19  }
0x165: {  	vm5 =	vmor vm2, vm3;
	v4 =	vld [tilespmem:s20+$0x20];
	v5 =	vsel vm0, v12, v5  }
0x166: {  	v9 =	vld [tilespmem:s20+$0xFFFFFFC0];
	vm0 =	vgt.f32 v3, $8.999999760e-01;
	vm1 =	vlt.f32 v3, $1.000000010e-01;
	[tilespmem:s19+$0x30] =	vst v5  }
0x167: {  	v10 =	vld [tilespmem:s19+$0xFFFFFFC0];
	vm0 =	vmor vm0, vm1;
	vm1 =	vgt.f32 v1, $8.999999760e-01;
	vm2 =	vlt.f32 v1, $1.000000010e-01  }
0x168: {  	v12 =	vld [tilespmem:s19+$0xFFFFFFD0];
	vm1 =	vmor vm1, vm2;
	vm2 =	vgt.f32 v0, $8.999999760e-01;
	vm3 =	vlt.f32 v0, $1.000000010e-01  }
.Ltmp10:
0x169: {  	v5 =	vld [tilespmem:s19+$0xFFFFFFE0];
	vm2 =	vmor vm2, vm3;
	vm3 =	vgt.f32 v2, $8.999999760e-01;
	vm4 =	vlt.f32 v2, $1.000000010e-01;
	(pc) =	sbr.rel @p1 .LBB2_24-.Ltmp10, $4  }
0x16a: {  	v6 =	vld [tilespmem:s19+$0xFFFFFFF0];
	vm3 =	vmor vm3, vm4;
	vm4 =	vgt.f32 v4, $8.999999760e-01;
	vm6 =	vlt.f32 v4, $1.000000010e-01  }
0x16b: {  	vm7 =	vgt.f32 v9, $8.999999760e-01;
	vm8 =	vlt.f32 v9, $1.000000010e-01;
	v7 =	vld [tilespmem:s19+$0x0];
	vm4 =	vmor vm4, vm6  }
0x16c: {  	vm6 =	vmor vm7, vm8;
	v8 =	vld [tilespmem:s19+$0x10]  }
0x16d: {  	s20 =	sadd.s32 $0x400, s20;
	v11 =	vsel vm6, v9, v10;
	v10 =	vsel vm5, v13, v12;
	v9 =	vld [tilespmem:s19+$0x20]  }
0x16e: {  	[tilespmem:s19+$0xFFFFFFC0] =	vst v11;
	s9 =	sadd.s32 $0x1, s9  }
0x16f: {  	v3 =	vsel vm0, v3, v5;
	[tilespmem:s17+$0xFFFFFFD0] =	vst v10;
	p1 =	sne.s32 s9, $0x8  }
.Ltmp11:
0x170: {  	v1 =	vsel vm1, v1, v6;
	[tilespmem:s17+$0xFFFFFFE0] =	vst v3;
	(pc) =	sbr.rel @p1 .LBB2_23-.Ltmp11, $4  }
0x171: {  	v0 =	vsel vm2, v0, v7;
	[tilespmem:s17+$0xFFFFFFF0] =	vst v1  }
0x172: {  	v62 =	vsel vm3, v2, v8;
	[tilespmem:s17+$0x0] =	vst v0  }
0x173: {  	v63 =	vsel vm4, v4, v9;
	[tilespmem:s17+$0x10] =	vst v62  }
0x174: {  	s6 =	sadd.s32 $0x80, s6;
	s16 =	sadd.s32 $0x80, s16;
	[tilespmem:s17+$0x20] =	vst v63  }
0x175: {  	s6 =	sadd.s32 s4, s28  }
0x176: {  	[hbm4b:s6+s5] =	stream.linear.scatter [tilespmem:s23], [sflag:$0xE], $0x1000, $0x38;
	[tilespmem:$0x10000] =	vst v63  }
0x177: {  	s6 =	simm.s32 @!p0 $0xB  }
0x178: {  	_ =	swait.ge @!p0 [sflag:s6], $0x1000  }
0x179: {  	s9 =	rddreg [dreg:$0x10]  }
0x17a: {  	[sflag:s6] =	ssyncset.done @!p0 $0x0;
	s9 =	sadd.s32 @!p0 s2, s9  }
0x17b: {  	[sflag:s6] =	ssyncadd.s32 @!p0 $0xFFFFF000;
	s6 =	sshll.u32 @!p0 s9, $0x9  }
0x17c: {  	s16 =	simm.s32 @!p0 $0x0;
	s17 =	simm.s32 @!p0 $0x2000;
	s9 =	sadd.s32 @!p0 s1, s6  }
0x17d: {  	[tilespmem:s17], [sflag:$0x3] =	stream.linear.gather @!p0 [hbm4b:s9+s16], $0x1000, $0x38;
	[tilespmem:$0x10000] =	vst v63  }
0x17e: {  	s6 =	sadd.s32 @!p0 s3, s6;
	s9 =	simm.s32 @!p0 $0xA000  }
0x17f: {  	[tilespmem:s9], [sflag:$0x3] =	stream.linear.gather @!p0 [hbm4b:s6+s16], $0x1000, $0x38;
	[tilespmem:$0x10000] =	vst v63  }
0x180: {  	_ =	swait.ge [sflag:s15], $0x1000  }
0x181: {  	[sflag:s15] =	ssyncset.done $0x0  }
0x182: {  	[sflag:s15] =	ssyncadd.s32 $0xFFFFF000  }
0x183: {  	_ =	swait.ge [sflag:s15], $0x1000  }
0x184: {  	s9 =	simm.s32 $0x0;
	[sflag:s15] =	ssyncset.done $0x0  }
0x185: {  	s6 =	simm.s32 $0xE040;
	s16 =	simm.s32 $0x6040;
	[sflag:s15] =	ssyncadd.s32 $0xFFFFF000  }
.LBB2_27:
0x186: {  	v5 =	vld [tilespmem:s16+$0x30]  }
0x187: {  	v9 =	vld [tilespmem:s16+$0xFFFFFFD0]  }
0x188: {  	v6 =	vld [tilespmem:s6+$0x30]  }
0x189: {  	v3 =	vld [tilespmem:s16+$0xFFFFFFE0]  }
0x18a: {  	v1 =	vld [tilespmem:s16+$0xFFFFFFF0]  }
0x18b: {  	v0 =	vld [tilespmem:s16+$0x0]  }
0x18c: {  	v2 =	vld [tilespmem:s16+$0x10];
	vm0 =	vgt.f32 v5, $8.999999760e-01  }
0x18d: {  	v4 =	vld [tilespmem:s16+$0x20];
	vm1 =	vlt.f32 v5, $1.000000010e-01;
	vm2 =	vgt.f32 v9, $8.999999760e-01;
	vm3 =	vlt.f32 v9, $1.000000010e-01  }
0x18e: {  	v10 =	vld [tilespmem:s16+$0xFFFFFFC0];
	vm0 =	vmor vm0, vm1;
	vm5 =	vmor vm2, vm3  }
0x18f: {  	v12 =	vld [tilespmem:s6+$0xFFFFFFC0];
	vm1 =	vlt.f32 v3, $1.000000010e-01;
	v11 =	vsel vm0, v5, v6;
	vm0 =	vgt.f32 v3, $8.999999760e-01  }
0x190: {  	v13 =	vld [tilespmem:s6+$0xFFFFFFD0];
	vm2 =	vlt.f32 v1, $1.000000010e-01;
	vm0 =	vmor vm0, vm1;
	vm1 =	vgt.f32 v1, $8.999999760e-01  }
0x191: {  	vm3 =	vlt.f32 v0, $1.000000010e-01;
	v5 =	vld [tilespmem:s6+$0xFFFFFFE0];
	vm1 =	vmor vm1, vm2;
	vm2 =	vgt.f32 v0, $8.999999760e-01  }
0x192: {  	vm4 =	vlt.f32 v2, $1.000000010e-01;
	v6 =	vld [tilespmem:s6+$0xFFFFFFF0];
	vm2 =	vmor vm2, vm3;
	vm3 =	vgt.f32 v2, $8.999999760e-01  }
0x193: {  	v7 =	vld [tilespmem:s6+$0x0];
	vm6 =	vlt.f32 v10, $1.000000010e-01;
	vm3 =	vmor vm3, vm4;
	vm4 =	vgt.f32 v10, $8.999999760e-01  }
0x194: {  	v8 =	vld [tilespmem:s6+$0x10];
	s18 =	simm.s32 $0x0;
	vm7 =	vgt.f32 v4, $8.999999760e-01;
	vm8 =	vlt.f32 v4, $1.000000010e-01;
	vm6 =	vmor vm4, vm6  }
0x195: {  	s20 =	sadd.s32 $0x400, s16;
	s19 =	smov.u32 s6;
	s17 =	smov.u32 s6;
	[tilespmem:s6+$0x30] =	vst v11;
	vm4 =	vmor vm7, vm8;
	v11 =	vsel vm6, v10, v12;
	v10 =	vsel vm5, v9, v13;
	v9 =	vld [tilespmem:s6+$0x20]  }
.LBB2_28:
0x196: {  	v12 =	vld [tilespmem:s20+$0x30];
	s18 =	sadd.s32 $0x80, s18;
	[tilespmem:s19+$0xFFFFFFC0] =	vst v11;
	v3 =	vsel vm0, v3, v5  }
0x197: {  	s19 =	sadd.s32 $0x400, s19;
	v13 =	vld [tilespmem:s20+$0xFFFFFFD0];
	p1 =	slt.u32 s18, $0x180;
	[tilespmem:s17+$0xFFFFFFD0] =	vst v10;
	v1 =	vsel vm1, v1, v6  }
0x198: {  	v5 =	vld [tilespmem:s19+$0x30];
	[tilespmem:s17+$0xFFFFFFE0] =	vst v3;
	v0 =	vsel vm2, v0, v7  }
0x199: {  	v3 =	vld [tilespmem:s20+$0xFFFFFFE0];
	[tilespmem:s17+$0xFFFFFFF0] =	vst v1;
	v2 =	vsel vm3, v2, v8  }
0x19a: {  	v1 =	vld [tilespmem:s20+$0xFFFFFFF0];
	[tilespmem:s17+$0x0] =	vst v0;
	v4 =	vsel vm4, v4, v9  }
0x19b: {  	v0 =	vld [tilespmem:s20+$0x0];
	vm0 =	vgt.f32 v12, $8.999999760e-01;
	vm1 =	vlt.f32 v12, $1.000000010e-01;
	[tilespmem:s17+$0x10] =	vst v2  }
0x19c: {  	vm2 =	vgt.f32 v13, $8.999999760e-01;
	vm3 =	vlt.f32 v13, $1.000000010e-01;
	v2 =	vld [tilespmem:s20+$0x10];
	vm0 =	vmor vm0, vm1;
	[tilespmem:s17+$0x20] =	vst v4;
	s17 =	smov.u32 s19  }
0x19d: {  	vm5 =	vmor vm2, vm3;
	v4 =	vld [tilespmem:s20+$0x20];
	v5 =	vsel vm0, v12, v5  }
0x19e: {  	v9 =	vld [tilespmem:s20+$0xFFFFFFC0];
	vm0 =	vgt.f32 v3, $8.999999760e-01;
	vm1 =	vlt.f32 v3, $1.000000010e-01;
	[tilespmem:s19+$0x30] =	vst v5  }
0x19f: {  	v10 =	vld [tilespmem:s19+$0xFFFFFFC0];
	vm0 =	vmor vm0, vm1;
	vm1 =	vgt.f32 v1, $8.999999760e-01;
	vm2 =	vlt.f32 v1, $1.000000010e-01  }
0x1a0: {  	v12 =	vld [tilespmem:s19+$0xFFFFFFD0];
	vm1 =	vmor vm1, vm2;
	vm2 =	vgt.f32 v0, $8.999999760e-01;
	vm3 =	vlt.f32 v0, $1.000000010e-01  }
.Ltmp12:
0x1a1: {  	v5 =	vld [tilespmem:s19+$0xFFFFFFE0];
	vm2 =	vmor vm2, vm3;
	vm3 =	vgt.f32 v2, $8.999999760e-01;
	vm4 =	vlt.f32 v2, $1.000000010e-01;
	(pc) =	sbr.rel @p1 .LBB2_28-.Ltmp12, $4  }
0x1a2: {  	v6 =	vld [tilespmem:s19+$0xFFFFFFF0];
	vm3 =	vmor vm3, vm4;
	vm4 =	vgt.f32 v4, $8.999999760e-01;
	vm6 =	vlt.f32 v4, $1.000000010e-01  }
0x1a3: {  	vm7 =	vgt.f32 v9, $8.999999760e-01;
	vm8 =	vlt.f32 v9, $1.000000010e-01;
	v7 =	vld [tilespmem:s19+$0x0];
	vm4 =	vmor vm4, vm6  }
0x1a4: {  	vm6 =	vmor vm7, vm8;
	v8 =	vld [tilespmem:s19+$0x10]  }
0x1a5: {  	s20 =	sadd.s32 $0x400, s20;
	v11 =	vsel vm6, v9, v10;
	v10 =	vsel vm5, v13, v12;
	v9 =	vld [tilespmem:s19+$0x20]  }
0x1a6: {  	[tilespmem:s19+$0xFFFFFFC0] =	vst v11;
	s9 =	sadd.s32 $0x1, s9  }
0x1a7: {  	v3 =	vsel vm0, v3, v5;
	[tilespmem:s17+$0xFFFFFFD0] =	vst v10;
	p1 =	sne.s32 s9, $0x8  }
.Ltmp13:
0x1a8: {  	v1 =	vsel vm1, v1, v6;
	[tilespmem:s17+$0xFFFFFFE0] =	vst v3;
	(pc) =	sbr.rel @p1 .LBB2_27-.Ltmp13, $4  }
0x1a9: {  	v0 =	vsel vm2, v0, v7;
	[tilespmem:s17+$0xFFFFFFF0] =	vst v1  }
0x1aa: {  	v62 =	vsel vm3, v2, v8;
	[tilespmem:s17+$0x0] =	vst v0  }
0x1ab: {  	v63 =	vsel vm4, v4, v9;
	[tilespmem:s17+$0x10] =	vst v62  }
0x1ac: {  	s6 =	sadd.s32 $0x80, s6;
	s16 =	sadd.s32 $0x80, s16;
	[tilespmem:s17+$0x20] =	vst v63  }
0x1ad: {  	s6 =	sadd.s32 s4, s22  }
0x1ae: {  	[hbm4b:s6+s5] =	stream.linear.scatter [tilespmem:s7], [sflag:$0xF], $0x1000, $0x38;
	[tilespmem:$0x10000] =	vst v63  }
0x1af: {  	s6 =	simm.s32 @!p0 $0xC  }
0x1b0: {  	_ =	swait.ge @!p0 [sflag:s6], $0x1000  }
0x1b1: {  	s9 =	rddreg [dreg:$0x11]  }
0x1b2: {  	s2 =	sadd.s32 @!p0 s2, s9  }
0x1b3: {  	s16 =	simm.s32 @!p0 $0x3000;
	[sflag:s6] =	ssyncset.done @!p0 $0x0;
	s2 =	sshll.u32 @!p0 s2, $0x9  }
0x1b4: {  	[sflag:s6] =	ssyncadd.s32 @!p0 $0xFFFFF000;
	s9 =	simm.s32 @!p0 $0x0;
	s6 =	sadd.s32 @!p0 s1, s2  }
0x1b5: {  	[tilespmem:s16], [sflag:$0x4] =	stream.linear.gather @!p0 [hbm4b:s6+s9], $0x1000, $0x38;
	[tilespmem:$0x10000] =	vst v63  }
0x1b6: {  	s2 =	sadd.s32 @!p0 s3, s2;
	s6 =	simm.s32 @!p0 $0xB000  }
0x1b7: {  	[tilespmem:s6], [sflag:$0x4] =	stream.linear.gather @!p0 [hbm4b:s2+s9], $0x1000, $0x38;
	[tilespmem:$0x10000] =	vst v63  }
0x1b8: {  	_ =	swait.ge [sflag:s21], $0x1000  }
0x1b9: {  	[sflag:s21] =	ssyncset.done $0x0  }
0x1ba: {  	[sflag:s21] =	ssyncadd.s32 $0xFFFFF000  }
0x1bb: {  	_ =	swait.ge [sflag:s21], $0x1000  }
0x1bc: {  	s2 =	simm.s32 $0x0;
	[sflag:s21] =	ssyncset.done $0x0  }
0x1bd: {  	s6 =	simm.s32 $0xF040;
	s9 =	simm.s32 $0x7040;
	[sflag:s21] =	ssyncadd.s32 $0xFFFFF000  }
.LBB2_31:
0x1be: {  	v5 =	vld [tilespmem:s9+$0x30]  }
0x1bf: {  	v9 =	vld [tilespmem:s9+$0xFFFFFFD0]  }
0x1c0: {  	v6 =	vld [tilespmem:s6+$0x30]  }
0x1c1: {  	v3 =	vld [tilespmem:s9+$0xFFFFFFE0]  }
0x1c2: {  	v1 =	vld [tilespmem:s9+$0xFFFFFFF0]  }
0x1c3: {  	v0 =	vld [tilespmem:s9+$0x0]  }
0x1c4: {  	v2 =	vld [tilespmem:s9+$0x10];
	vm0 =	vgt.f32 v5, $8.999999760e-01  }
0x1c5: {  	v4 =	vld [tilespmem:s9+$0x20];
	vm1 =	vlt.f32 v5, $1.000000010e-01;
	vm2 =	vgt.f32 v9, $8.999999760e-01;
	vm3 =	vlt.f32 v9, $1.000000010e-01  }
0x1c6: {  	v10 =	vld [tilespmem:s9+$0xFFFFFFC0];
	vm0 =	vmor vm0, vm1;
	vm5 =	vmor vm2, vm3  }
0x1c7: {  	v12 =	vld [tilespmem:s6+$0xFFFFFFC0];
	vm1 =	vlt.f32 v3, $1.000000010e-01;
	v11 =	vsel vm0, v5, v6;
	vm0 =	vgt.f32 v3, $8.999999760e-01  }
0x1c8: {  	v13 =	vld [tilespmem:s6+$0xFFFFFFD0];
	vm2 =	vlt.f32 v1, $1.000000010e-01;
	vm0 =	vmor vm0, vm1;
	vm1 =	vgt.f32 v1, $8.999999760e-01  }
0x1c9: {  	vm3 =	vlt.f32 v0, $1.000000010e-01;
	v5 =	vld [tilespmem:s6+$0xFFFFFFE0];
	vm1 =	vmor vm1, vm2;
	vm2 =	vgt.f32 v0, $8.999999760e-01  }
0x1ca: {  	vm4 =	vlt.f32 v2, $1.000000010e-01;
	v6 =	vld [tilespmem:s6+$0xFFFFFFF0];
	vm2 =	vmor vm2, vm3;
	vm3 =	vgt.f32 v2, $8.999999760e-01  }
0x1cb: {  	v7 =	vld [tilespmem:s6+$0x0];
	vm6 =	vlt.f32 v10, $1.000000010e-01;
	vm3 =	vmor vm3, vm4;
	vm4 =	vgt.f32 v10, $8.999999760e-01  }
0x1cc: {  	v8 =	vld [tilespmem:s6+$0x10];
	s17 =	simm.s32 $0x0;
	vm7 =	vgt.f32 v4, $8.999999760e-01;
	vm8 =	vlt.f32 v4, $1.000000010e-01;
	vm6 =	vmor vm4, vm6  }
0x1cd: {  	s19 =	sadd.s32 $0x400, s9;
	s18 =	smov.u32 s6;
	s16 =	smov.u32 s6;
	[tilespmem:s6+$0x30] =	vst v11;
	vm4 =	vmor vm7, vm8;
	v11 =	vsel vm6, v10, v12;
	v10 =	vsel vm5, v9, v13;
	v9 =	vld [tilespmem:s6+$0x20]  }
.LBB2_32:
0x1ce: {  	v12 =	vld [tilespmem:s19+$0x30];
	s17 =	sadd.s32 $0x80, s17;
	[tilespmem:s18+$0xFFFFFFC0] =	vst v11;
	v3 =	vsel vm0, v3, v5  }
0x1cf: {  	s18 =	sadd.s32 $0x400, s18;
	v13 =	vld [tilespmem:s19+$0xFFFFFFD0];
	p0 =	slt.u32 s17, $0x180;
	[tilespmem:s16+$0xFFFFFFD0] =	vst v10;
	v1 =	vsel vm1, v1, v6  }
0x1d0: {  	v5 =	vld [tilespmem:s18+$0x30];
	[tilespmem:s16+$0xFFFFFFE0] =	vst v3;
	v0 =	vsel vm2, v0, v7  }
0x1d1: {  	v3 =	vld [tilespmem:s19+$0xFFFFFFE0];
	[tilespmem:s16+$0xFFFFFFF0] =	vst v1;
	v2 =	vsel vm3, v2, v8  }
0x1d2: {  	v1 =	vld [tilespmem:s19+$0xFFFFFFF0];
	[tilespmem:s16+$0x0] =	vst v0;
	v4 =	vsel vm4, v4, v9  }
0x1d3: {  	v0 =	vld [tilespmem:s19+$0x0];
	vm0 =	vgt.f32 v12, $8.999999760e-01;
	vm1 =	vlt.f32 v12, $1.000000010e-01;
	[tilespmem:s16+$0x10] =	vst v2  }
0x1d4: {  	vm2 =	vgt.f32 v13, $8.999999760e-01;
	vm3 =	vlt.f32 v13, $1.000000010e-01;
	v2 =	vld [tilespmem:s19+$0x10];
	vm0 =	vmor vm0, vm1;
	[tilespmem:s16+$0x20] =	vst v4;
	s16 =	smov.u32 s18  }
0x1d5: {  	vm5 =	vmor vm2, vm3;
	v4 =	vld [tilespmem:s19+$0x20];
	v5 =	vsel vm0, v12, v5  }
0x1d6: {  	v9 =	vld [tilespmem:s19+$0xFFFFFFC0];
	vm0 =	vgt.f32 v3, $8.999999760e-01;
	vm1 =	vlt.f32 v3, $1.000000010e-01;
	[tilespmem:s18+$0x30] =	vst v5  }
0x1d7: {  	v10 =	vld [tilespmem:s18+$0xFFFFFFC0];
	vm0 =	vmor vm0, vm1;
	vm1 =	vgt.f32 v1, $8.999999760e-01;
	vm2 =	vlt.f32 v1, $1.000000010e-01  }
0x1d8: {  	v12 =	vld [tilespmem:s18+$0xFFFFFFD0];
	vm1 =	vmor vm1, vm2;
	vm2 =	vgt.f32 v0, $8.999999760e-01;
	vm3 =	vlt.f32 v0, $1.000000010e-01  }
.Ltmp14:
0x1d9: {  	v5 =	vld [tilespmem:s18+$0xFFFFFFE0];
	vm2 =	vmor vm2, vm3;
	vm3 =	vgt.f32 v2, $8.999999760e-01;
	vm4 =	vlt.f32 v2, $1.000000010e-01;
	(pc) =	sbr.rel @p0 .LBB2_32-.Ltmp14, $4  }
0x1da: {  	v6 =	vld [tilespmem:s18+$0xFFFFFFF0];
	vm3 =	vmor vm3, vm4;
	vm4 =	vgt.f32 v4, $8.999999760e-01;
	vm6 =	vlt.f32 v4, $1.000000010e-01  }
0x1db: {  	vm7 =	vgt.f32 v9, $8.999999760e-01;
	vm8 =	vlt.f32 v9, $1.000000010e-01;
	v7 =	vld [tilespmem:s18+$0x0];
	vm4 =	vmor vm4, vm6  }
0x1dc: {  	vm6 =	vmor vm7, vm8;
	v8 =	vld [tilespmem:s18+$0x10]  }
0x1dd: {  	s19 =	sadd.s32 $0x400, s19;
	v11 =	vsel vm6, v9, v10;
	v10 =	vsel vm5, v13, v12;
	v9 =	vld [tilespmem:s18+$0x20]  }
0x1de: {  	[tilespmem:s18+$0xFFFFFFC0] =	vst v11;
	s2 =	sadd.s32 $0x1, s2  }
0x1df: {  	v3 =	vsel vm0, v3, v5;
	[tilespmem:s16+$0xFFFFFFD0] =	vst v10;
	p0 =	sne.s32 s2, $0x8  }
.Ltmp15:
0x1e0: {  	v1 =	vsel vm1, v1, v6;
	[tilespmem:s16+$0xFFFFFFE0] =	vst v3;
	(pc) =	sbr.rel @p0 .LBB2_31-.Ltmp15, $4  }
0x1e1: {  	v0 =	vsel vm2, v0, v7;
	[tilespmem:s16+$0xFFFFFFF0] =	vst v1  }
0x1e2: {  	v62 =	vsel vm3, v2, v8;
	[tilespmem:s16+$0x0] =	vst v0  }
0x1e3: {  	v63 =	vsel vm4, v4, v9;
	[tilespmem:s16+$0x10] =	vst v62  }
0x1e4: {  	s6 =	sadd.s32 $0x80, s6;
	s9 =	sadd.s32 $0x80, s9;
	[tilespmem:s16+$0x20] =	vst v63  }
0x1e5: {  	s30 =	sadd.s32 $0x1, s30  }
0x1e6: {  	p0 =	sne.s32 s30, $0x10  }
.Ltmp16:
0x1e7: {  	_ = 	snop;
	(pc) =	sbr.rel @p0 .LBB2_2-.Ltmp16, $3  }
0x1e8: {  	_ =	sdelay $0x1  }
0x1e9: {  	s2 =	sadd.s32 s4, s24  }
0x1ea: {  	[hbm4b:s2+s5] =	stream.linear.scatter [tilespmem:s10], [sflag:$0x10], $0x1000, $0x38;
	[tilespmem:$0x10000] =	vst v63  }
0x1eb: {  	s2 =	simm.s32 $0x9  }
0x1ec: {  	_ =	swait.ge [sflag:s2], $0x1000  }
0x1ed: {  	[sflag:s2] =	ssyncset.done $0x0  }
0x1ee: {  	s20 =	simm.s32 $0xA;
	[sflag:s2] =	ssyncadd.s32 $0xFFFFF000  }
0x1ef: {  	_ =	swait.ge [sflag:s20], $0x1000  }
0x1f0: {  	[sflag:s20] =	ssyncset.done $0x0  }
0x1f1: {  	s22 =	simm.s32 $0xB;
	[sflag:s20] =	ssyncadd.s32 $0xFFFFF000  }
0x1f2: {  	_ =	swait.ge [sflag:s22], $0x1000  }
0x1f3: {  	[sflag:s22] =	ssyncset.done $0x0  }
0x1f4: {  	s24 =	simm.s32 $0xC;
	[sflag:s22] =	ssyncadd.s32 $0xFFFFF000  }
0x1f5: {  	_ =	swait.ge [sflag:s24], $0x1000  }
0x1f6: {  	[sflag:s24] =	ssyncset.done $0x0  }
0x1f7: {  	s26 =	simm.s32 $0xD;
	[sflag:s24] =	ssyncadd.s32 $0xFFFFF000  }
0x1f8: {  	_ =	swait.ge [sflag:s26], $0x1000  }
0x1f9: {  	[sflag:s26] =	ssyncset.done $0x0  }
0x1fa: {  	s28 =	simm.s32 $0xE;
	[sflag:s26] =	ssyncadd.s32 $0xFFFFF000  }
0x1fb: {  	_ =	swait.ge [sflag:s28], $0x1000  }
0x1fc: {  	[sflag:s28] =	ssyncset.done $0x0  }
0x1fd: {  	s29 =	simm.s32 $0xF;
	[sflag:s28] =	ssyncadd.s32 $0xFFFFF000  }
0x1fe: {  	_ =	swait.ge [sflag:s29], $0x1000  }
0x1ff: {  	[sflag:s29] =	ssyncset.done $0x0  }
0x200: {  	s6 =	simm.s32 $0x10;
	[sflag:s29] =	ssyncadd.s32 $0xFFFFF000  }
0x201: {  	_ =	swait.ge [sflag:s6], $0x1000  }
0x202: {  	s9 =	rddreg [dreg:$0x13]  }
0x203: {  	s30 =	rddreg [dreg:$0x12];
	s9 =	sadd.s32 $0x1, s9  }
0x204: {  	p0 =	sne.s32 s9, s30  }
.Ltmp17:
0x205: {  	_ = 	snop;
	(pc) =	sbr.rel @p0 .LBB2_1-.Ltmp17, $3  }
0x206: {  	_ =	sdelay $0x1  }
0x207: {  	[sflag:s6] =	ssyncset.done $0x0  }
0x208: {  	[sflag:s6] =	ssyncadd.s32 $0xFFFFF000  }
0x209: {  	_ =	sfence.sel $0x180000  }
0x20a: {  	[bflag:$0x0] =	sbarrier.arrive $0xFFFF  }
0x20b: {  	_ =	strace $0x90000047  }
0x20c: {  	s0 =	stileid.u32;
	[bflag:$0x2] =	sbarrier.arrive $0xFFFF  }
0x20d: {  	p0 =	sne.s32 s0, $0x0;
	s0 =	rddreg [dreg:$0x3]  }
0x20e: {  	s0 =	sadd.s32 @!p0 $0x100000, s0  }
0x20f: {  	[sflag:s0] =	ssyncadd.tile.s32 @!p0 $0x1;
	_ =	shalt  }
.Lfunc_end2:
_tile_overlayer_lowered:
.L_overlay_start_2:
0x210: {  	(tag) =	ssettag $0x2  }
0x211: {  	s0 =	rddreg [dreg:$0x0];
	s2 =	stileid.u32  }
0x212: {  	s1 =	rddreg [dreg:$0x1];
	p0 =	sne.s32 s2, $0x0  }
0x213: {  	s3 =	rddreg [dreg:$0x2];
	[bflag:$0x3] =	sbarrier.arrive $0xFFFF;
	s2 =	simm.s32 @!p0 $0x1C11  }
0x214: {  	[timem:s3], [sflag:s2] =	dma.local @!p0 [hbm:s0], s1  }
0x215: {  	s0 =	simm.s32 @!p0 $0x11  }
0x216: {  	_ =	swait.ge @!p0 [sflag:s0], s1  }
0x217: {  	s1 =	ssub.s32 @!p0 $0x0, s1;
	[sflag:s0] =	ssyncset.done @!p0 $0x0  }
0x218: {  	[sflag:s0] =	ssyncadd.s32 @!p0 s1  }
0x219: {  	[bflag:$0x3] =	sbarrier.arrive $0xFFFF  }
0x21a: {  	_ =	shalt  }

</sc_bundles>
